<compile_context>
chip_gen: v7x
topology: tpu7x:2x2x1
jax: 0.10.2.dev20260603
libtpu: 0.0.44.dev20260713+nightly
codegen_flags: <defaults>
</compile_context>

<pallas_src>
import functools

import jax
import jax.numpy as jnp
from jax import lax
from jax.experimental import pallas as pl
from jax.experimental.pallas import tpu as pltpu
from jax.experimental.pallas import tpu_sc as plsc

_NUM_CORES = 2
_NUM_SUBCORES = 16
_NW = _NUM_CORES * _NUM_SUBCORES
_LANES = 16
_BLK = 16
_TILE = 128


@functools.lru_cache(maxsize=None)
def _make_sc_bottom(T):
    ntile = T // _TILE
    nblk_total = T // _BLK
    mesh = plsc.VectorSubcoreMesh(core_axis_name="c", subcore_axis_name="s")

    @functools.partial(
        pl.kernel,
        out_type=jax.ShapeDtypeStruct((_NW, 2 * T), jnp.float32),
        mesh=mesh,
        scratch_types=[
            pltpu.VMEM((2 * _BLK, T), jnp.float32),
            pltpu.VMEM((2 * T,), jnp.float32),
            [pltpu.SemaphoreType.DMA] * 2,
        ],
        compiler_params=pltpu.CompilerParams(needs_layout_passes=False),
    )
    def sc_bottom(x_hbm, part_hbm, buf, acc, sems):
        cid = lax.axis_index("c")
        sid = lax.axis_index("s")
        wid = cid * _NUM_SUBCORES + sid

        zero16 = jnp.zeros((_LANES,), jnp.float32)

        @plsc.parallel_loop(0, (2 * T) // _LANES, unroll=4)
        def _(k):
            acc[pl.ds(k * _LANES, _LANES)] = zero16

        half = nblk_total // 2
        blocks = [half + wid, nblk_total - 1 - wid]

        iota = lax.iota(jnp.int32, _LANES)

        def start_blk_dma(idx, slot):
            blk_id = blocks[idx]
            return pltpu.async_copy(
                x_hbm.at[pl.ds(blk_id * _BLK, _BLK), :],
                buf.at[pl.ds(slot * _BLK, _BLK), :],
                sems[slot],
            )

        copies = [None] * len(blocks)
        copies[0] = start_blk_dma(0, 0)
        for bi in range(len(blocks)):
            if bi + 1 < len(blocks):
                copies[bi + 1] = start_blk_dma(bi + 1, (bi + 1) % 2)
            copies[bi].wait()
            slot0 = (bi % 2) * _BLK
            row0 = blocks[bi] * _BLK

            def row_body(rr, carry):
                r = slot0 + rr
                i = row0 + rr
                shift = T - i
                lo = jnp.maximum(0, 2 * i - T + 2)
                t0 = jnp.minimum(lo // _TILE, ntile - 1)

                jb = t0 * _TILE
                for c in range(_TILE // _LANES):
                    jvec = iota + (jb + c * _LANES)
                    xv = buf[r, pl.ds(jb + c * _LANES, _LANES)]
                    plsc.addupdate_scatter(
                        acc, [jvec + shift], xv,
                        mask=(jvec >= lo) & (jvec < T - 1),
                    )

                @plsc.parallel_loop(t0 + 1, ntile - 1)
                def _(t):
                    tb = t * _TILE
                    for c in range(_TILE // _LANES):
                        xv = buf[r, pl.ds(tb + c * _LANES, _LANES)]
                        plsc.addupdate(
                            acc.at[pl.ds(tb + c * _LANES + shift, _LANES)], xv
                        )

                @pl.when(t0 < ntile - 1)
                def _():
                    tb = (ntile - 1) * _TILE
                    for c in range(_TILE // _LANES - 1):
                        xv = buf[r, pl.ds(tb + c * _LANES, _LANES)]
                        plsc.addupdate(
                            acc.at[pl.ds(tb + c * _LANES + shift, _LANES)], xv
                        )
                    cb = tb + _TILE - _LANES
                    jvec = iota + cb
                    xv = buf[r, pl.ds(cb, _LANES)]
                    plsc.addupdate_scatter(
                        acc, [jvec + shift], xv, mask=jvec < T - 1
                    )
                return carry

            lax.fori_loop(0, _BLK, row_body, 0)

        pltpu.sync_copy(acc, part_hbm.at[wid])

    return sc_bottom


def _tc_top_body(T, S, nslab, x_ref, out_ref):
    s = pl.program_id(0)
    W = T + S

    @pl.when(s == 0)
    def _():
        out_ref[...] = jnp.zeros_like(out_ref)

    x = x_ref[...]
    col = lax.broadcasted_iota(jnp.int32, (S, T), 1)
    x = jnp.where(col < T - 1, x, 0.0)
    y = jnp.concatenate([x, jnp.zeros((S, W - T), jnp.float32)], axis=1)
    rows, k = S, 1
    while rows > 1:
        rolled = pltpu.roll(y, k, 1)
        ev = rolled.reshape(rows // 2, 2, W)[:, 0, :]
        od = y.reshape(rows // 2, 2, W)[:, 1, :]
        y = ev + od
        rows //= 2
        k *= 2
    colsum = y
    for sv in range(nslab):
        @pl.when(s == sv)
        def _():
            base = T - (S - 1) - sv * S
            out_ref[0, base:base + W] += colsum[0, :]


@functools.lru_cache(maxsize=None)
def _make_tc_top(T):
    S = 128
    nslab = (T // 2) // S
    return pl.pallas_call(
        functools.partial(_tc_top_body, T, S, nslab),
        grid=(nslab,),
        in_specs=[pl.BlockSpec((S, T), lambda s: (s, 0))],
        out_specs=pl.BlockSpec((1, 2 * T + S), lambda s: (0, 0)),
        out_shape=jax.ShapeDtypeStruct((1, 2 * T + S), jnp.float32),
    )


def _combine_body(T, p_ref, t_ref, o_ref):
    s = jnp.sum(p_ref[...], axis=0, keepdims=True) + t_ref[0:1, : 2 * T]
    b = lax.broadcasted_iota(jnp.int32, (1, 2 * T), 1)
    cnt = jnp.where(b < T, 2 * b - T - 1, 2 * T - 1 - b)
    cnt = jnp.maximum(cnt, 0).astype(jnp.float32)
    o_ref[...] = s / cnt


def kernel(inputs):
    T = inputs.shape[0]
    sc_part = _make_sc_bottom(T)(inputs)
    tc_part = _make_tc_top(T)(inputs)
    out = pl.pallas_call(
        functools.partial(_combine_body, T),
        out_shape=jax.ShapeDtypeStruct((1, 2 * T), jnp.float32),
    )(sc_part, tc_part)
    return out.reshape(2 * T)

# --- scband reference (transcript-rebuilt; emitter-appended) ---
"""Pipeline reference for scband-diag-mean-12335146074114 (READ-ONLY COPY).

The authoritative reference and input builder live on the scoring server;
editing this copy changes nothing except your own understanding.
"""

import jax, jax.numpy as jnp
import numpy as np

T = 2048

def setup_inputs(seed: int = 0) -> dict:
    key = jax.random.key(seed)
    inputs = jax.random.normal(key, (T, T), dtype=jnp.float32)
    return {"inputs": inputs}

def reference(inputs):
    # Faithful translation of DiagMean.call:
    #   for diagi in range(-T, T):
    #       nx = range(abs(min(0, diagi)), T - 1 - abs(diagi))
    #       ny = nx + diagi
    #       out[diagi + T] = mean(mat[nx, ny])   (mean of empty slice -> NaN)
    # Vectorized with segment_sum: element (i, j) lies on diagonal d = j - i and is
    # included iff i >= max(0, -d) and i < T - 1 - |d| (matches the TF index math,
    # including the off-by-one 'T - 1' limit and the asymmetric negative-diag start).
    T_ = inputs.shape[1]
    i = jnp.arange(T_)[:, None]
    j = jnp.arange(T_)[None, :]
    d = j - i
    cond = (i >= jnp.maximum(0, -d)) & (i < T_ - 1 - jnp.abs(d))
    seg = (d + T_).reshape(-1)  # bins 0 .. 2T-1 for diagi in [-T, T)
    masked = jnp.where(cond, inputs, jnp.zeros_like(inputs)).reshape(-1)
    sums = jax.ops.segment_sum(masked, seg, num_segments=2 * T_)
    counts = jax.ops.segment_sum(cond.astype(jnp.float32).reshape(-1), seg, num_segments=2 * T_)
    # empty diagonals: 0 / 0 -> NaN, matching tf.reduce_mean over an empty gather
    return sums / counts

if __name__ == "__main__":
    import jax
    _d = setup_inputs()
    print(jax.jit(kernel)(*tuple(_d.values())))

</pallas_src>

<mosaic_0001>
#map = affine_map<(d0, d1) -> (0, 0)>
module attributes {stable_mosaic.version = 14 : i64} {
  func.func @sc_bottom(%arg0: i32, %arg1: i32, %arg2: memref<2048x2048xf32, #tpu.memory_space<hbm>>, %arg3: memref<32x4096xf32, #tpu.memory_space<hbm>>, %arg4: memref<32x2048xf32, #tpu.memory_space<vmem>>, %arg5: memref<4096xf32, #tpu.memory_space<vmem>>, %arg6: memref<!tpu.dma_semaphore, #tpu.memory_space<semaphore_mem>>, %arg7: memref<!tpu.dma_semaphore, #tpu.memory_space<semaphore_mem>>) attributes {dimension_semantics = [#tpu.dimension_semantics<core_parallel>, #tpu.dimension_semantics<subcore_parallel>], iteration_bounds = array<i64: 2, 16>, scalar_prefetch = 0 : i64, scratch_operands = 4 : i64, tpu.core_type = #tpu.core_type<sc_vector_subcore>, window_params = [{transform_indices = #map}, {transform_indices = #map}]} {
    %mul3A = arith.constant 16 : i32
    %mul3A_0 = arith.muli %arg0, %mul3A : i32
    %add3A = arith.addi %mul3A_0, %arg1 : i32
    %broadcast_in_dim3A = arith.constant 0.000000e+00 : f32
    %broadcast_in_dim3A_1 = vector.broadcast %broadcast_in_dim3A : f32 to vector<16xf32>
    %parallel_loop3A = arith.constant 0 : i32
    %parallel_loop3A_2 = arith.constant 256 : i32
    %parallel_loop3A_3 = arith.constant 1 : i32
    scf.for %parallel_loop3A_64 = %parallel_loop3A to %parallel_loop3A_2 step %parallel_loop3A_3  : i32 {
      %parallel_loop3A_65 = arith.constant 16 : i32
      %parallel_loop3A_66 = arith.muli %parallel_loop3A_64, %parallel_loop3A_65 : i32
      %parallel_loop3A_67 = arith.index_cast %parallel_loop3A_66 : i32 to index
      %parallel_loop3A_68 = tpu.vector_load %arg5[%parallel_loop3A_67] {strides = array<i32>} : memref<4096xf32, #tpu.memory_space<vmem>>, vector<16xf32>,
      tpu.vector_store %arg5[%parallel_loop3A_67], %broadcast_in_dim3A_1 {strides = array<i32>} : memref<4096xf32, #tpu.memory_space<vmem>>, vector<16xf32>,
    } {sc.loop_unroll_factor = 4 : i64, sc.parallel_access}
    %add3A_4 = arith.constant 64 : i32
    %add3A_5 = arith.addi %add3A_4, %add3A : i32
    %sub3A = arith.constant 127 : i32
    %sub3A_6 = arith.subi %sub3A, %add3A : i32
    %iota3A = tpu.iota {dimensions = array<i32: 0>} : vector<16xi32>
    %mul3A_7 = arith.constant 16 : i32
    %mul3A_8 = arith.muli %add3A_5, %mul3A_7 : i32
    %dma_start3A = arith.constant 0 : i32
    %dma_start3A_9 = arith.constant 0 : i32
    %dma_start3A_10 = tpu.memref_slice %arg4[%dma_start3A, %dma_start3A_9] : memref<32x2048xf32, #tpu.memory_space<vmem>> -> memref<16x2048xf32, #tpu.memory_space<vmem>>
    %dma_start3A_11 = arith.constant 0 : i32
    %dma_start3A_12 = tpu.memref_slice %arg2[%mul3A_8, %dma_start3A_11] : memref<2048x2048xf32, #tpu.memory_space<hbm>> -> memref<16x2048xf32, #tpu.memory_space<hbm>>
    %dma_start3A_13 = arith.constant 0 : i32
    %dma_start3A_14 = arith.constant 0 : i32
    %dma_start3A_15 = tpu.memref_slice %arg4[%dma_start3A_13, %dma_start3A_14] : memref<32x2048xf32, #tpu.memory_space<vmem>> -> memref<16x2048xf32, #tpu.memory_space<vmem>>
    %dma_start3A_16 = arith.constant 0 : i32
    %dma_start3A_17 = tpu.memref_slice %arg2[%mul3A_8, %dma_start3A_16] : memref<2048x2048xf32, #tpu.memory_space<hbm>> -> memref<16x2048xf32, #tpu.memory_space<hbm>>
    tpu.enqueue_dma source(%dma_start3A_17 : memref<16x2048xf32, #tpu.memory_space<hbm>>) target(%dma_start3A_15 : memref<16x2048xf32, #tpu.memory_space<vmem>>) target_semaphore(%arg6 : memref<!tpu.dma_semaphore, #tpu.memory_space<semaphore_mem>>)
    %mul3A_18 = arith.constant 16 : i32
    %mul3A_19 = arith.muli %sub3A_6, %mul3A_18 : i32
    %dma_start3A_20 = arith.constant 16 : i32
    %dma_start3A_21 = arith.constant 0 : i32
    %dma_start3A_22 = tpu.memref_slice %arg4[%dma_start3A_20, %dma_start3A_21] : memref<32x2048xf32, #tpu.memory_space<vmem>> -> memref<16x2048xf32, #tpu.memory_space<vmem>>
    %dma_start3A_23 = arith.constant 0 : i32
    %dma_start3A_24 = tpu.memref_slice %arg2[%mul3A_19, %dma_start3A_23] : memref<2048x2048xf32, #tpu.memory_space<hbm>> -> memref<16x2048xf32, #tpu.memory_space<hbm>>
    %dma_start3A_25 = arith.constant 16 : i32
    %dma_start3A_26 = arith.constant 0 : i32
    %dma_start3A_27 = tpu.memref_slice %arg4[%dma_start3A_25, %dma_start3A_26] : memref<32x2048xf32, #tpu.memory_space<vmem>> -> memref<16x2048xf32, #tpu.memory_space<vmem>>
    %dma_start3A_28 = arith.constant 0 : i32
    %dma_start3A_29 = tpu.memref_slice %arg2[%mul3A_19, %dma_start3A_28] : memref<2048x2048xf32, #tpu.memory_space<hbm>> -> memref<16x2048xf32, #tpu.memory_space<hbm>>
    tpu.enqueue_dma source(%dma_start3A_29 : memref<16x2048xf32, #tpu.memory_space<hbm>>) target(%dma_start3A_27 : memref<16x2048xf32, #tpu.memory_space<vmem>>) target_semaphore(%arg7 : memref<!tpu.dma_semaphore, #tpu.memory_space<semaphore_mem>>)
    %dma_wait3A = arith.constant 0 : i32
    %dma_wait3A_30 = arith.constant 0 : i32
    %dma_wait3A_31 = tpu.memref_slice %arg4[%dma_wait3A, %dma_wait3A_30] : memref<32x2048xf32, #tpu.memory_space<vmem>> -> memref<16x2048xf32, #tpu.memory_space<vmem>>
    %dma_wait3A_32 = arith.constant 0 : i32
    %dma_wait3A_33 = tpu.memref_slice %arg2[%mul3A_8, %dma_wait3A_32] : memref<2048x2048xf32, #tpu.memory_space<hbm>> -> memref<16x2048xf32, #tpu.memory_space<hbm>>
    %dma_wait3A_34 = arith.constant 0 : i32
    %dma_wait3A_35 = arith.constant 0 : i32
    %dma_wait3A_36 = tpu.memref_slice %arg4[%dma_wait3A_34, %dma_wait3A_35] : memref<32x2048xf32, #tpu.memory_space<vmem>> -> memref<16x2048xf32, #tpu.memory_space<vmem>>
    %dma_wait3A_37 = arith.constant 0 : i32
    %dma_wait3A_38 = tpu.memref_slice %arg2[%mul3A_8, %dma_wait3A_37] : memref<2048x2048xf32, #tpu.memory_space<hbm>> -> memref<16x2048xf32, #tpu.memory_space<hbm>>
    tpu.wait_dma2 semaphore(%arg6 : memref<!tpu.dma_semaphore, #tpu.memory_space<semaphore_mem>>) src(%dma_wait3A_38 : memref<16x2048xf32, #tpu.memory_space<hbm>>) dst(%dma_wait3A_36 : memref<16x2048xf32, #tpu.memory_space<vmem>>)
    %mul3A_39 = arith.constant 16 : i32
    %mul3A_40 = arith.muli %add3A_5, %mul3A_39 : i32
    %scan3A = arith.constant 0 : i32
    %scan3A_41 = arith.constant 0 : i32
    %scan3A_42 = arith.constant 16 : i32
    %scan3A_43 = arith.addi %scan3A_41, %scan3A_42 : i32
    %scan3A_44 = arith.constant 1 : i32
    scf.for %scan3A_64 = %scan3A_41 to %scan3A_43 step %scan3A_44  : i32 {
      %add3A_65 = arith.constant 0 : i32
      %add3A_66 = arith.addi %add3A_65, %scan3A_64 : i32
      %add3A_67 = arith.addi %mul3A_40, %scan3A_64 : i32
      %sub3A_68 = arith.constant 2048 : i32
      %sub3A_69 = arith.subi %sub3A_68, %add3A_67 : i32
      %mul3A_70 = arith.constant 2 : i32
      %mul3A_71 = arith.muli %mul3A_70, %add3A_67 : i32
      %sub3A_72 = arith.constant 2048 : i32
      %sub3A_73 = arith.subi %mul3A_71, %sub3A_72 : i32
      %add3A_74 = arith.constant 2 : i32
      %add3A_75 = arith.addi %sub3A_73, %add3A_74 : i32
      %max3A = arith.constant 0 : i32
      %max3A_76 = arith.maxsi %max3A, %add3A_75 : i32
      %jit3A = arith.constant 128 : i32
      %div3A = arith.divsi %max3A_76, %jit3A : i32
      %sign3A = arith.constant 0 : i32
      %sign3A_77 = arith.cmpi sgt, %max3A_76, %sign3A : i32
      %sign3A_78 = arith.extui %sign3A_77 : i1 to i32
      %sign3A_79 = arith.constant 0 : i32
      %sign3A_80 = arith.cmpi slt, %max3A_76, %sign3A_79 : i32
      %sign3A_81 = arith.extui %sign3A_80 : i1 to i32
      %sign3A_82 = arith.subi %sign3A_78, %sign3A_81 : i32
      %sign3A_83 = arith.constant 0 : i32
      %sign3A_84 = arith.cmpi sgt, %jit3A, %sign3A_83 : i32
      %sign3A_85 = arith.extui %sign3A_84 : i1 to i32
      %sign3A_86 = arith.constant 0 : i32
      %sign3A_87 = arith.cmpi slt, %jit3A, %sign3A_86 : i32
      %sign3A_88 = arith.extui %sign3A_87 : i1 to i32
      %sign3A_89 = arith.subi %sign3A_85, %sign3A_88 : i32
      %ne3A = arith.cmpi ne, %sign3A_82, %sign3A_89 : i32
      %rem3A = arith.remsi %max3A_76, %jit3A : i32
      %ne3A_90 = arith.constant 0 : i32
      %ne3A_91 = arith.cmpi ne, %rem3A, %ne3A_90 : i32
      %and3A = arith.andi %ne3A, %ne3A_91 : i1
      %sub3A_92 = arith.constant 1 : i32
      %sub3A_93 = arith.subi %div3A, %sub3A_92 : i32
      %select_n3A = arith.select %and3A, %sub3A_93, %div3A : i32
      %min3A = arith.constant 15 : i32
      %min3A_94 = arith.minsi %select_n3A, %min3A : i32
      %mul3A_95 = arith.constant 128 : i32
      %mul3A_96 = arith.muli %min3A_94, %mul3A_95 : i32
      %add3A_97 = arith.constant 0 : i32
      %add3A_98 = arith.addi %mul3A_96, %add3A_97 : i32
      %add3A_99 = vector.broadcast %add3A_98 : i32 to vector<16xi32>
      %add3A_100 = arith.addi %iota3A, %add3A_99 : vector<16xi32>
      %add3A_101 = arith.constant 0 : i32
      %add3A_102 = arith.addi %mul3A_96, %add3A_101 : i32
      %get3A = arith.index_cast %add3A_66 : i32 to index
      %get3A_103 = arith.index_cast %add3A_102 : i32 to index
      %get3A_104 = tpu.vector_load %arg4[%get3A, %get3A_103] {strides = array<i32>} : memref<32x2048xf32, #tpu.memory_space<vmem>>, vector<16xf32>,
      %add3A_105 = vector.broadcast %sub3A_69 : i32 to vector<16xi32>
      %add3A_106 = arith.addi %add3A_100, %add3A_105 : vector<16xi32>
      %ge3A = vector.broadcast %max3A_76 : i32 to vector<16xi32>
      %ge3A_107 = arith.cmpi sge, %add3A_100, %ge3A : vector<16xi32>
      %lt3A = arith.constant 2047 : i32
      %lt3A_108 = vector.broadcast %lt3A : i32 to vector<16xi32>
      %lt3A_109 = arith.cmpi slt, %add3A_100, %lt3A_108 : vector<16xi32>
      %and3A_110 = arith.andi %ge3A_107, %lt3A_109 : vector<16xi1>
      tpu.vector_store_idx %arg5[%add3A_106], %get3A_104 masked %and3A_110 {add = true} : memref<4096xf32, #tpu.memory_space<vmem>>[vector<16xi32>], vector<16xf32>, vector<16xi1>
      %add3A_111 = arith.constant 16 : i32
      %add3A_112 = arith.addi %mul3A_96, %add3A_111 : i32
      %add3A_113 = vector.broadcast %add3A_112 : i32 to vector<16xi32>
      %add3A_114 = arith.addi %iota3A, %add3A_113 : vector<16xi32>
      %add3A_115 = arith.constant 16 : i32
      %add3A_116 = arith.addi %mul3A_96, %add3A_115 : i32
      %get3A_117 = arith.index_cast %add3A_66 : i32 to index
      %get3A_118 = arith.index_cast %add3A_116 : i32 to index
      %get3A_119 = tpu.vector_load %arg4[%get3A_117, %get3A_118] {strides = array<i32>} : memref<32x2048xf32, #tpu.memory_space<vmem>>, vector<16xf32>,
      %add3A_120 = vector.broadcast %sub3A_69 : i32 to vector<16xi32>
      %add3A_121 = arith.addi %add3A_114, %add3A_120 : vector<16xi32>
      %ge3A_122 = vector.broadcast %max3A_76 : i32 to vector<16xi32>
      %ge3A_123 = arith.cmpi sge, %add3A_114, %ge3A_122 : vector<16xi32>
      %lt3A_124 = arith.constant 2047 : i32
      %lt3A_125 = vector.broadcast %lt3A_124 : i32 to vector<16xi32>
      %lt3A_126 = arith.cmpi slt, %add3A_114, %lt3A_125 : vector<16xi32>
      %and3A_127 = arith.andi %ge3A_123, %lt3A_126 : vector<16xi1>
      tpu.vector_store_idx %arg5[%add3A_121], %get3A_119 masked %and3A_127 {add = true} : memref<4096xf32, #tpu.memory_space<vmem>>[vector<16xi32>], vector<16xf32>, vector<16xi1>
      %add3A_128 = arith.constant 32 : i32
      %add3A_129 = arith.addi %mul3A_96, %add3A_128 : i32
      %add3A_130 = vector.broadcast %add3A_129 : i32 to vector<16xi32>
      %add3A_131 = arith.addi %iota3A, %add3A_130 : vector<16xi32>
      %add3A_132 = arith.constant 32 : i32
      %add3A_133 = arith.addi %mul3A_96, %add3A_132 : i32
      %get3A_134 = arith.index_cast %add3A_66 : i32 to index
      %get3A_135 = arith.index_cast %add3A_133 : i32 to index
      %get3A_136 = tpu.vector_load %arg4[%get3A_134, %get3A_135] {strides = array<i32>} : memref<32x2048xf32, #tpu.memory_space<vmem>>, vector<16xf32>,
      %add3A_137 = vector.broadcast %sub3A_69 : i32 to vector<16xi32>
      %add3A_138 = arith.addi %add3A_131, %add3A_137 : vector<16xi32>
      %ge3A_139 = vector.broadcast %max3A_76 : i32 to vector<16xi32>
      %ge3A_140 = arith.cmpi sge, %add3A_131, %ge3A_139 : vector<16xi32>
      %lt3A_141 = arith.constant 2047 : i32
      %lt3A_142 = vector.broadcast %lt3A_141 : i32 to vector<16xi32>
      %lt3A_143 = arith.cmpi slt, %add3A_131, %lt3A_142 : vector<16xi32>
      %and3A_144 = arith.andi %ge3A_140, %lt3A_143 : vector<16xi1>
      tpu.vector_store_idx %arg5[%add3A_138], %get3A_136 masked %and3A_144 {add = true} : memref<4096xf32, #tpu.memory_space<vmem>>[vector<16xi32>], vector<16xf32>, vector<16xi1>
      %add3A_145 = arith.constant 48 : i32
      %add3A_146 = arith.addi %mul3A_96, %add3A_145 : i32
      %add3A_147 = vector.broadcast %add3A_146 : i32 to vector<16xi32>
      %add3A_148 = arith.addi %iota3A, %add3A_147 : vector<16xi32>
      %add3A_149 = arith.constant 48 : i32
      %add3A_150 = arith.addi %mul3A_96, %add3A_149 : i32
      %get3A_151 = arith.index_cast %add3A_66 : i32 to index
      %get3A_152 = arith.index_cast %add3A_150 : i32 to index
      %get3A_153 = tpu.vector_load %arg4[%get3A_151, %get3A_152] {strides = array<i32>} : memref<32x2048xf32, #tpu.memory_space<vmem>>, vector<16xf32>,
      %add3A_154 = vector.broadcast %sub3A_69 : i32 to vector<16xi32>
      %add3A_155 = arith.addi %add3A_148, %add3A_154 : vector<16xi32>
      %ge3A_156 = vector.broadcast %max3A_76 : i32 to vector<16xi32>
      %ge3A_157 = arith.cmpi sge, %add3A_148, %ge3A_156 : vector<16xi32>
      %lt3A_158 = arith.constant 2047 : i32
      %lt3A_159 = vector.broadcast %lt3A_158 : i32 to vector<16xi32>
      %lt3A_160 = arith.cmpi slt, %add3A_148, %lt3A_159 : vector<16xi32>
      %and3A_161 = arith.andi %ge3A_157, %lt3A_160 : vector<16xi1>
      tpu.vector_store_idx %arg5[%add3A_155], %get3A_153 masked %and3A_161 {add = true} : memref<4096xf32, #tpu.memory_space<vmem>>[vector<16xi32>], vector<16xf32>, vector<16xi1>
      %add3A_162 = arith.constant 64 : i32
      %add3A_163 = arith.addi %mul3A_96, %add3A_162 : i32
      %add3A_164 = vector.broadcast %add3A_163 : i32 to vector<16xi32>
      %add3A_165 = arith.addi %iota3A, %add3A_164 : vector<16xi32>
      %add3A_166 = arith.constant 64 : i32
      %add3A_167 = arith.addi %mul3A_96, %add3A_166 : i32
      %get3A_168 = arith.index_cast %add3A_66 : i32 to index
      %get3A_169 = arith.index_cast %add3A_167 : i32 to index
      %get3A_170 = tpu.vector_load %arg4[%get3A_168, %get3A_169] {strides = array<i32>} : memref<32x2048xf32, #tpu.memory_space<vmem>>, vector<16xf32>,
      %add3A_171 = vector.broadcast %sub3A_69 : i32 to vector<16xi32>
      %add3A_172 = arith.addi %add3A_165, %add3A_171 : vector<16xi32>
      %ge3A_173 = vector.broadcast %max3A_76 : i32 to vector<16xi32>
      %ge3A_174 = arith.cmpi sge, %add3A_165, %ge3A_173 : vector<16xi32>
      %lt3A_175 = arith.constant 2047 : i32
      %lt3A_176 = vector.broadcast %lt3A_175 : i32 to vector<16xi32>
      %lt3A_177 = arith.cmpi slt, %add3A_165, %lt3A_176 : vector<16xi32>
      %and3A_178 = arith.andi %ge3A_174, %lt3A_177 : vector<16xi1>
      tpu.vector_store_idx %arg5[%add3A_172], %get3A_170 masked %and3A_178 {add = true} : memref<4096xf32, #tpu.memory_space<vmem>>[vector<16xi32>], vector<16xf32>, vector<16xi1>
      %add3A_179 = arith.constant 80 : i32
      %add3A_180 = arith.addi %mul3A_96, %add3A_179 : i32
      %add3A_181 = vector.broadcast %add3A_180 : i32 to vector<16xi32>
      %add3A_182 = arith.addi %iota3A, %add3A_181 : vector<16xi32>
      %add3A_183 = arith.constant 80 : i32
      %add3A_184 = arith.addi %mul3A_96, %add3A_183 : i32
      %get3A_185 = arith.index_cast %add3A_66 : i32 to index
      %get3A_186 = arith.index_cast %add3A_184 : i32 to index
      %get3A_187 = tpu.vector_load %arg4[%get3A_185, %get3A_186] {strides = array<i32>} : memref<32x2048xf32, #tpu.memory_space<vmem>>, vector<16xf32>,
      %add3A_188 = vector.broadcast %sub3A_69 : i32 to vector<16xi32>
      %add3A_189 = arith.addi %add3A_182, %add3A_188 : vector<16xi32>
      %ge3A_190 = vector.broadcast %max3A_76 : i32 to vector<16xi32>
      %ge3A_191 = arith.cmpi sge, %add3A_182, %ge3A_190 : vector<16xi32>
      %lt3A_192 = arith.constant 2047 : i32
      %lt3A_193 = vector.broadcast %lt3A_192 : i32 to vector<16xi32>
      %lt3A_194 = arith.cmpi slt, %add3A_182, %lt3A_193 : vector<16xi32>
      %and3A_195 = arith.andi %ge3A_191, %lt3A_194 : vector<16xi1>
      tpu.vector_store_idx %arg5[%add3A_189], %get3A_187 masked %and3A_195 {add = true} : memref<4096xf32, #tpu.memory_space<vmem>>[vector<16xi32>], vector<16xf32>, vector<16xi1>
      %add3A_196 = arith.constant 96 : i32
      %add3A_197 = arith.addi %mul3A_96, %add3A_196 : i32
      %add3A_198 = vector.broadcast %add3A_197 : i32 to vector<16xi32>
      %add3A_199 = arith.addi %iota3A, %add3A_198 : vector<16xi32>
      %add3A_200 = arith.constant 96 : i32
      %add3A_201 = arith.addi %mul3A_96, %add3A_200 : i32
      %get3A_202 = arith.index_cast %add3A_66 : i32 to index
      %get3A_203 = arith.index_cast %add3A_201 : i32 to index
      %get3A_204 = tpu.vector_load %arg4[%get3A_202, %get3A_203] {strides = array<i32>} : memref<32x2048xf32, #tpu.memory_space<vmem>>, vector<16xf32>,
      %add3A_205 = vector.broadcast %sub3A_69 : i32 to vector<16xi32>
      %add3A_206 = arith.addi %add3A_199, %add3A_205 : vector<16xi32>
      %ge3A_207 = vector.broadcast %max3A_76 : i32 to vector<16xi32>
      %ge3A_208 = arith.cmpi sge, %add3A_199, %ge3A_207 : vector<16xi32>
      %lt3A_209 = arith.constant 2047 : i32
      %lt3A_210 = vector.broadcast %lt3A_209 : i32 to vector<16xi32>
      %lt3A_211 = arith.cmpi slt, %add3A_199, %lt3A_210 : vector<16xi32>
      %and3A_212 = arith.andi %ge3A_208, %lt3A_211 : vector<16xi1>
      tpu.vector_store_idx %arg5[%add3A_206], %get3A_204 masked %and3A_212 {add = true} : memref<4096xf32, #tpu.memory_space<vmem>>[vector<16xi32>], vector<16xf32>, vector<16xi1>
      %add3A_213 = arith.constant 112 : i32
      %add3A_214 = arith.addi %mul3A_96, %add3A_213 : i32
      %add3A_215 = vector.broadcast %add3A_214 : i32 to vector<16xi32>
      %add3A_216 = arith.addi %iota3A, %add3A_215 : vector<16xi32>
      %add3A_217 = arith.constant 112 : i32
      %add3A_218 = arith.addi %mul3A_96, %add3A_217 : i32
      %get3A_219 = arith.index_cast %add3A_66 : i32 to index
      %get3A_220 = arith.index_cast %add3A_218 : i32 to index
      %get3A_221 = tpu.vector_load %arg4[%get3A_219, %get3A_220] {strides = array<i32>} : memref<32x2048xf32, #tpu.memory_space<vmem>>, vector<16xf32>,
      %add3A_222 = vector.broadcast %sub3A_69 : i32 to vector<16xi32>
      %add3A_223 = arith.addi %add3A_216, %add3A_222 : vector<16xi32>
      %ge3A_224 = vector.broadcast %max3A_76 : i32 to vector<16xi32>
      %ge3A_225 = arith.cmpi sge, %add3A_216, %ge3A_224 : vector<16xi32>
      %lt3A_226 = arith.constant 2047 : i32
      %lt3A_227 = vector.broadcast %lt3A_226 : i32 to vector<16xi32>
      %lt3A_228 = arith.cmpi slt, %add3A_216, %lt3A_227 : vector<16xi32>
      %and3A_229 = arith.andi %ge3A_225, %lt3A_228 : vector<16xi1>
      tpu.vector_store_idx %arg5[%add3A_223], %get3A_221 masked %and3A_229 {add = true} : memref<4096xf32, #tpu.memory_space<vmem>>[vector<16xi32>], vector<16xf32>, vector<16xi1>
      %add3A_230 = arith.constant 1 : i32
      %add3A_231 = arith.addi %min3A_94, %add3A_230 : i32
      %parallel_loop3A_232 = arith.constant 15 : i32
      %parallel_loop3A_233 = arith.constant 1 : i32
      scf.for %parallel_loop3A_237 = %add3A_231 to %parallel_loop3A_232 step %parallel_loop3A_233  : i32 {
        %parallel_loop3A_238 = arith.constant 128 : i32
        %parallel_loop3A_239 = arith.muli %parallel_loop3A_237, %parallel_loop3A_238 : i32
        %parallel_loop3A_240 = arith.constant 0 : i32
        %parallel_loop3A_241 = arith.addi %parallel_loop3A_239, %parallel_loop3A_240 : i32
        %parallel_loop3A_242 = arith.index_cast %add3A_66 : i32 to index
        %parallel_loop3A_243 = arith.index_cast %parallel_loop3A_241 : i32 to index
        %parallel_loop3A_244 = tpu.vector_load %arg4[%parallel_loop3A_242, %parallel_loop3A_243] {strides = array<i32>} : memref<32x2048xf32, #tpu.memory_space<vmem>>, vector<16xf32>,
        %parallel_loop3A_245 = arith.constant 0 : i32
        %parallel_loop3A_246 = arith.addi %parallel_loop3A_239, %parallel_loop3A_245 : i32
        %parallel_loop3A_247 = arith.addi %parallel_loop3A_246, %sub3A_69 : i32
        %parallel_loop3A_248 = arith.index_cast %parallel_loop3A_247 : i32 to index
        %parallel_loop3A_249 = tpu.vector_load %arg5[%parallel_loop3A_248] {strides = array<i32>} : memref<4096xf32, #tpu.memory_space<vmem>>, vector<16xf32>,
        tpu.vector_store %arg5[%parallel_loop3A_248], %parallel_loop3A_244 {add = true, strides = array<i32>} : memref<4096xf32, #tpu.memory_space<vmem>>, vector<16xf32>,
        %parallel_loop3A_250 = arith.constant 16 : i32
        %parallel_loop3A_251 = arith.addi %parallel_loop3A_239, %parallel_loop3A_250 : i32
        %parallel_loop3A_252 = arith.index_cast %add3A_66 : i32 to index
        %parallel_loop3A_253 = arith.index_cast %parallel_loop3A_251 : i32 to index
        %parallel_loop3A_254 = tpu.vector_load %arg4[%parallel_loop3A_252, %parallel_loop3A_253] {strides = array<i32>} : memref<32x2048xf32, #tpu.memory_space<vmem>>, vector<16xf32>,
        %parallel_loop3A_255 = arith.constant 16 : i32
        %parallel_loop3A_256 = arith.addi %parallel_loop3A_239, %parallel_loop3A_255 : i32
        %parallel_loop3A_257 = arith.addi %parallel_loop3A_256, %sub3A_69 : i32
        %parallel_loop3A_258 = arith.index_cast %parallel_loop3A_257 : i32 to index
        %parallel_loop3A_259 = tpu.vector_load %arg5[%parallel_loop3A_258] {strides = array<i32>} : memref<4096xf32, #tpu.memory_space<vmem>>, vector<16xf32>,
        tpu.vector_store %arg5[%parallel_loop3A_258], %parallel_loop3A_254 {add = true, strides = array<i32>} : memref<4096xf32, #tpu.memory_space<vmem>>, vector<16xf32>,
        %parallel_loop3A_260 = arith.constant 32 : i32
        %parallel_loop3A_261 = arith.addi %parallel_loop3A_239, %parallel_loop3A_260 : i32
        %parallel_loop3A_262 = arith.index_cast %add3A_66 : i32 to index
        %parallel_loop3A_263 = arith.index_cast %parallel_loop3A_261 : i32 to index
        %parallel_loop3A_264 = tpu.vector_load %arg4[%parallel_loop3A_262, %parallel_loop3A_263] {strides = array<i32>} : memref<32x2048xf32, #tpu.memory_space<vmem>>, vector<16xf32>,
        %parallel_loop3A_265 = arith.constant 32 : i32
        %parallel_loop3A_266 = arith.addi %parallel_loop3A_239, %parallel_loop3A_265 : i32
        %parallel_loop3A_267 = arith.addi %parallel_loop3A_266, %sub3A_69 : i32
        %parallel_loop3A_268 = arith.index_cast %parallel_loop3A_267 : i32 to index
        %parallel_loop3A_269 = tpu.vector_load %arg5[%parallel_loop3A_268] {strides = array<i32>} : memref<4096xf32, #tpu.memory_space<vmem>>, vector<16xf32>,
        tpu.vector_store %arg5[%parallel_loop3A_268], %parallel_loop3A_264 {add = true, strides = array<i32>} : memref<4096xf32, #tpu.memory_space<vmem>>, vector<16xf32>,
        %parallel_loop3A_270 = arith.constant 48 : i32
        %parallel_loop3A_271 = arith.addi %parallel_loop3A_239, %parallel_loop3A_270 : i32
        %parallel_loop3A_272 = arith.index_cast %add3A_66 : i32 to index
        %parallel_loop3A_273 = arith.index_cast %parallel_loop3A_271 : i32 to index
        %parallel_loop3A_274 = tpu.vector_load %arg4[%parallel_loop3A_272, %parallel_loop3A_273] {strides = array<i32>} : memref<32x2048xf32, #tpu.memory_space<vmem>>, vector<16xf32>,
        %parallel_loop3A_275 = arith.constant 48 : i32
        %parallel_loop3A_276 = arith.addi %parallel_loop3A_239, %parallel_loop3A_275 : i32
        %parallel_loop3A_277 = arith.addi %parallel_loop3A_276, %sub3A_69 : i32
        %parallel_loop3A_278 = arith.index_cast %parallel_loop3A_277 : i32 to index
        %parallel_loop3A_279 = tpu.vector_load %arg5[%parallel_loop3A_278] {strides = array<i32>} : memref<4096xf32, #tpu.memory_space<vmem>>, vector<16xf32>,
        tpu.vector_store %arg5[%parallel_loop3A_278], %parallel_loop3A_274 {add = true, strides = array<i32>} : memref<4096xf32, #tpu.memory_space<vmem>>, vector<16xf32>,
        %parallel_loop3A_280 = arith.constant 64 : i32
        %parallel_loop3A_281 = arith.addi %parallel_loop3A_239, %parallel_loop3A_280 : i32
        %parallel_loop3A_282 = arith.index_cast %add3A_66 : i32 to index
        %parallel_loop3A_283 = arith.index_cast %parallel_loop3A_281 : i32 to index
        %parallel_loop3A_284 = tpu.vector_load %arg4[%parallel_loop3A_282, %parallel_loop3A_283] {strides = array<i32>} : memref<32x2048xf32, #tpu.memory_space<vmem>>, vector<16xf32>,
        %parallel_loop3A_285 = arith.constant 64 : i32
        %parallel_loop3A_286 = arith.addi %parallel_loop3A_239, %parallel_loop3A_285 : i32
        %parallel_loop3A_287 = arith.addi %parallel_loop3A_286, %sub3A_69 : i32
        %parallel_loop3A_288 = arith.index_cast %parallel_loop3A_287 : i32 to index
        %parallel_loop3A_289 = tpu.vector_load %arg5[%parallel_loop3A_288] {strides = array<i32>} : memref<4096xf32, #tpu.memory_space<vmem>>, vector<16xf32>,
        tpu.vector_store %arg5[%parallel_loop3A_288], %parallel_loop3A_284 {add = true, strides = array<i32>} : memref<4096xf32, #tpu.memory_space<vmem>>, vector<16xf32>,
        %parallel_loop3A_290 = arith.constant 80 : i32
        %parallel_loop3A_291 = arith.addi %parallel_loop3A_239, %parallel_loop3A_290 : i32
        %parallel_loop3A_292 = arith.index_cast %add3A_66 : i32 to index
        %parallel_loop3A_293 = arith.index_cast %parallel_loop3A_291 : i32 to index
        %parallel_loop3A_294 = tpu.vector_load %arg4[%parallel_loop3A_292, %parallel_loop3A_293] {strides = array<i32>} : memref<32x2048xf32, #tpu.memory_space<vmem>>, vector<16xf32>,
        %parallel_loop3A_295 = arith.constant 80 : i32
        %parallel_loop3A_296 = arith.addi %parallel_loop3A_239, %parallel_loop3A_295 : i32
        %parallel_loop3A_297 = arith.addi %parallel_loop3A_296, %sub3A_69 : i32
        %parallel_loop3A_298 = arith.index_cast %parallel_loop3A_297 : i32 to index
        %parallel_loop3A_299 = tpu.vector_load %arg5[%parallel_loop3A_298] {strides = array<i32>} : memref<4096xf32, #tpu.memory_space<vmem>>, vector<16xf32>,
        tpu.vector_store %arg5[%parallel_loop3A_298], %parallel_loop3A_294 {add = true, strides = array<i32>} : memref<4096xf32, #tpu.memory_space<vmem>>, vector<16xf32>,
        %parallel_loop3A_300 = arith.constant 96 : i32
        %parallel_loop3A_301 = arith.addi %parallel_loop3A_239, %parallel_loop3A_300 : i32
        %parallel_loop3A_302 = arith.index_cast %add3A_66 : i32 to index
        %parallel_loop3A_303 = arith.index_cast %parallel_loop3A_301 : i32 to index
        %parallel_loop3A_304 = tpu.vector_load %arg4[%parallel_loop3A_302, %parallel_loop3A_303] {strides = array<i32>} : memref<32x2048xf32, #tpu.memory_space<vmem>>, vector<16xf32>,
        %parallel_loop3A_305 = arith.constant 96 : i32
        %parallel_loop3A_306 = arith.addi %parallel_loop3A_239, %parallel_loop3A_305 : i32
        %parallel_loop3A_307 = arith.addi %parallel_loop3A_306, %sub3A_69 : i32
        %parallel_loop3A_308 = arith.index_cast %parallel_loop3A_307 : i32 to index
        %parallel_loop3A_309 = tpu.vector_load %arg5[%parallel_loop3A_308] {strides = array<i32>} : memref<4096xf32, #tpu.memory_space<vmem>>, vector<16xf32>,
        tpu.vector_store %arg5[%parallel_loop3A_308], %parallel_loop3A_304 {add = true, strides = array<i32>} : memref<4096xf32, #tpu.memory_space<vmem>>, vector<16xf32>,
        %parallel_loop3A_310 = arith.constant 112 : i32
        %parallel_loop3A_311 = arith.addi %parallel_loop3A_239, %parallel_loop3A_310 : i32
        %parallel_loop3A_312 = arith.index_cast %add3A_66 : i32 to index
        %parallel_loop3A_313 = arith.index_cast %parallel_loop3A_311 : i32 to index
        %parallel_loop3A_314 = tpu.vector_load %arg4[%parallel_loop3A_312, %parallel_loop3A_313] {strides = array<i32>} : memref<32x2048xf32, #tpu.memory_space<vmem>>, vector<16xf32>,
        %parallel_loop3A_315 = arith.constant 112 : i32
        %parallel_loop3A_316 = arith.addi %parallel_loop3A_239, %parallel_loop3A_315 : i32
        %parallel_loop3A_317 = arith.addi %parallel_loop3A_316, %sub3A_69 : i32
        %parallel_loop3A_318 = arith.index_cast %parallel_loop3A_317 : i32 to index
        %parallel_loop3A_319 = tpu.vector_load %arg5[%parallel_loop3A_318] {strides = array<i32>} : memref<4096xf32, #tpu.memory_space<vmem>>, vector<16xf32>,
        tpu.vector_store %arg5[%parallel_loop3A_318], %parallel_loop3A_314 {add = true, strides = array<i32>} : memref<4096xf32, #tpu.memory_space<vmem>>, vector<16xf32>,
      } {sc.loop_unroll_factor = 1 : i64, sc.parallel_access}
      %lt3A_234 = arith.constant 15 : i32
      %lt3A_235 = arith.cmpi slt, %min3A_94, %lt3A_234 : i32
      %convert_element_type3A = arith.extui %lt3A_235 : i1 to i32
      %cond3A = arith.constant 0 : i32
      %cond3A_236 = arith.cmpi ne, %convert_element_type3A, %cond3A : i32
      scf.if %cond3A_236 {
        %get3A_237 = arith.index_cast %add3A_66 : i32 to index
        %get3A_238 = arith.constant 1920 : index
        %get3A_239 = tpu.vector_load %arg4[%get3A_237, %get3A_238] {strides = array<i32>} : memref<32x2048xf32, #tpu.memory_space<vmem>>, vector<16xf32>,
        %add3A_240 = arith.constant 1920 : i32
        %add3A_241 = arith.addi %add3A_240, %sub3A_69 : i32
        %swap3A = arith.index_cast %add3A_241 : i32 to index
        %swap3A_242 = tpu.vector_load %arg5[%swap3A] {strides = array<i32>} : memref<4096xf32, #tpu.memory_space<vmem>>, vector<16xf32>,
        tpu.vector_store %arg5[%swap3A], %get3A_239 {add = true, strides = array<i32>} : memref<4096xf32, #tpu.memory_space<vmem>>, vector<16xf32>,
        %get3A_243 = arith.index_cast %add3A_66 : i32 to index
        %get3A_244 = arith.constant 1936 : index
        %get3A_245 = tpu.vector_load %arg4[%get3A_243, %get3A_244] {strides = array<i32>} : memref<32x2048xf32, #tpu.memory_space<vmem>>, vector<16xf32>,
        %add3A_246 = arith.constant 1936 : i32
        %add3A_247 = arith.addi %add3A_246, %sub3A_69 : i32
        %swap3A_248 = arith.index_cast %add3A_247 : i32 to index
        %swap3A_249 = tpu.vector_load %arg5[%swap3A_248] {strides = array<i32>} : memref<4096xf32, #tpu.memory_space<vmem>>, vector<16xf32>,
        tpu.vector_store %arg5[%swap3A_248], %get3A_245 {add = true, strides = array<i32>} : memref<4096xf32, #tpu.memory_space<vmem>>, vector<16xf32>,
        %get3A_250 = arith.index_cast %add3A_66 : i32 to index
        %get3A_251 = arith.constant 1952 : index
        %get3A_252 = tpu.vector_load %arg4[%get3A_250, %get3A_251] {strides = array<i32>} : memref<32x2048xf32, #tpu.memory_space<vmem>>, vector<16xf32>,
        %add3A_253 = arith.constant 1952 : i32
        %add3A_254 = arith.addi %add3A_253, %sub3A_69 : i32
        %swap3A_255 = arith.index_cast %add3A_254 : i32 to index
        %swap3A_256 = tpu.vector_load %arg5[%swap3A_255] {strides = array<i32>} : memref<4096xf32, #tpu.memory_space<vmem>>, vector<16xf32>,
        tpu.vector_store %arg5[%swap3A_255], %get3A_252 {add = true, strides = array<i32>} : memref<4096xf32, #tpu.memory_space<vmem>>, vector<16xf32>,
        %get3A_257 = arith.index_cast %add3A_66 : i32 to index
        %get3A_258 = arith.constant 1968 : index
        %get3A_259 = tpu.vector_load %arg4[%get3A_257, %get3A_258] {strides = array<i32>} : memref<32x2048xf32, #tpu.memory_space<vmem>>, vector<16xf32>,
        %add3A_260 = arith.constant 1968 : i32
        %add3A_261 = arith.addi %add3A_260, %sub3A_69 : i32
        %swap3A_262 = arith.index_cast %add3A_261 : i32 to index
        %swap3A_263 = tpu.vector_load %arg5[%swap3A_262] {strides = array<i32>} : memref<4096xf32, #tpu.memory_space<vmem>>, vector<16xf32>,
        tpu.vector_store %arg5[%swap3A_262], %get3A_259 {add = true, strides = array<i32>} : memref<4096xf32, #tpu.memory_space<vmem>>, vector<16xf32>,
        %get3A_264 = arith.index_cast %add3A_66 : i32 to index
        %get3A_265 = arith.constant 1984 : index
        %get3A_266 = tpu.vector_load %arg4[%get3A_264, %get3A_265] {strides = array<i32>} : memref<32x2048xf32, #tpu.memory_space<vmem>>, vector<16xf32>,
        %add3A_267 = arith.constant 1984 : i32
        %add3A_268 = arith.addi %add3A_267, %sub3A_69 : i32
        %swap3A_269 = arith.index_cast %add3A_268 : i32 to index
        %swap3A_270 = tpu.vector_load %arg5[%swap3A_269] {strides = array<i32>} : memref<4096xf32, #tpu.memory_space<vmem>>, vector<16xf32>,
        tpu.vector_store %arg5[%swap3A_269], %get3A_266 {add = true, strides = array<i32>} : memref<4096xf32, #tpu.memory_space<vmem>>, vector<16xf32>,
        %get3A_271 = arith.index_cast %add3A_66 : i32 to index
        %get3A_272 = arith.constant 2000 : index
        %get3A_273 = tpu.vector_load %arg4[%get3A_271, %get3A_272] {strides = array<i32>} : memref<32x2048xf32, #tpu.memory_space<vmem>>, vector<16xf32>,
        %add3A_274 = arith.constant 2000 : i32
        %add3A_275 = arith.addi %add3A_274, %sub3A_69 : i32
        %swap3A_276 = arith.index_cast %add3A_275 : i32 to index
        %swap3A_277 = tpu.vector_load %arg5[%swap3A_276] {strides = array<i32>} : memref<4096xf32, #tpu.memory_space<vmem>>, vector<16xf32>,
        tpu.vector_store %arg5[%swap3A_276], %get3A_273 {add = true, strides = array<i32>} : memref<4096xf32, #tpu.memory_space<vmem>>, vector<16xf32>,
        %get3A_278 = arith.index_cast %add3A_66 : i32 to index
        %get3A_279 = arith.constant 2016 : index
        %get3A_280 = tpu.vector_load %arg4[%get3A_278, %get3A_279] {strides = array<i32>} : memref<32x2048xf32, #tpu.memory_space<vmem>>, vector<16xf32>,
        %add3A_281 = arith.constant 2016 : i32
        %add3A_282 = arith.addi %add3A_281, %sub3A_69 : i32
        %swap3A_283 = arith.index_cast %add3A_282 : i32 to index
        %swap3A_284 = tpu.vector_load %arg5[%swap3A_283] {strides = array<i32>} : memref<4096xf32, #tpu.memory_space<vmem>>, vector<16xf32>,
        tpu.vector_store %arg5[%swap3A_283], %get3A_280 {add = true, strides = array<i32>} : memref<4096xf32, #tpu.memory_space<vmem>>, vector<16xf32>,
        %add3A_285 = arith.constant 2032 : i32
        %add3A_286 = vector.broadcast %add3A_285 : i32 to vector<16xi32>
        %add3A_287 = arith.addi %iota3A, %add3A_286 : vector<16xi32>
        %get3A_288 = arith.index_cast %add3A_66 : i32 to index
        %get3A_289 = arith.constant 2032 : index
        %get3A_290 = tpu.vector_load %arg4[%get3A_288, %get3A_289] {strides = array<i32>} : memref<32x2048xf32, #tpu.memory_space<vmem>>, vector<16xf32>,
        %add3A_291 = vector.broadcast %sub3A_69 : i32 to vector<16xi32>
        %add3A_292 = arith.addi %add3A_287, %add3A_291 : vector<16xi32>
        %lt3A_293 = arith.constant 2047 : i32
        %lt3A_294 = vector.broadcast %lt3A_293 : i32 to vector<16xi32>
        %lt3A_295 = arith.cmpi slt, %add3A_287, %lt3A_294 : vector<16xi32>
        tpu.vector_store_idx %arg5[%add3A_292], %get3A_290 masked %lt3A_295 {add = true} : memref<4096xf32, #tpu.memory_space<vmem>>[vector<16xi32>], vector<16xf32>, vector<16xi1>
      } else {
      }
    }
    %scan3A_45 = arith.constant 16 : i32
    %dma_wait3A_46 = arith.constant 16 : i32
    %dma_wait3A_47 = arith.constant 0 : i32
    %dma_wait3A_48 = tpu.memref_slice %arg4[%dma_wait3A_46, %dma_wait3A_47] : memref<32x2048xf32, #tpu.memory_space<vmem>> -> memref<16x2048xf32, #tpu.memory_space<vmem>>
    %dma_wait3A_49 = arith.constant 0 : i32
    %dma_wait3A_50 = tpu.memref_slice %arg2[%mul3A_19, %dma_wait3A_49] : memref<2048x2048xf32, #tpu.memory_space<hbm>> -> memref<16x2048xf32, #tpu.memory_space<hbm>>
    %dma_wait3A_51 = arith.constant 16 : i32
    %dma_wait3A_52 = arith.constant 0 : i32
    %dma_wait3A_53 = tpu.memref_slice %arg4[%dma_wait3A_51, %dma_wait3A_52] : memref<32x2048xf32, #tpu.memory_space<vmem>> -> memref<16x2048xf32, #tpu.memory_space<vmem>>
    %dma_wait3A_54 = arith.constant 0 : i32
    %dma_wait3A_55 = tpu.memref_slice %arg2[%mul3A_19, %dma_wait3A_54] : memref<2048x2048xf32, #tpu.memory_space<hbm>> -> memref<16x2048xf32, #tpu.memory_space<hbm>>
    tpu.wait_dma2 semaphore(%arg7 : memref<!tpu.dma_semaphore, #tpu.memory_space<semaphore_mem>>) src(%dma_wait3A_55 : memref<16x2048xf32, #tpu.memory_space<hbm>>) dst(%dma_wait3A_53 : memref<16x2048xf32, #tpu.memory_space<vmem>>)
    %mul3A_56 = arith.constant 16 : i32
    %mul3A_57 = arith.muli %sub3A_6, %mul3A_56 : i32
    %scan3A_58 = arith.constant 0 : i32
    %scan3A_59 = arith.constant 0 : i32
    %scan3A_60 = arith.constant 16 : i32
    %scan3A_61 = arith.addi %scan3A_59, %scan3A_60 : i32
    %scan3A_62 = arith.constant 1 : i32
    scf.for %scan3A_64 = %scan3A_59 to %scan3A_61 step %scan3A_62  : i32 {
      %add3A_65 = arith.constant 16 : i32
      %add3A_66 = arith.addi %add3A_65, %scan3A_64 : i32
      %add3A_67 = arith.addi %mul3A_57, %scan3A_64 : i32
      %sub3A_68 = arith.constant 2048 : i32
      %sub3A_69 = arith.subi %sub3A_68, %add3A_67 : i32
      %mul3A_70 = arith.constant 2 : i32
      %mul3A_71 = arith.muli %mul3A_70, %add3A_67 : i32
      %sub3A_72 = arith.constant 2048 : i32
      %sub3A_73 = arith.subi %mul3A_71, %sub3A_72 : i32
      %add3A_74 = arith.constant 2 : i32
      %add3A_75 = arith.addi %sub3A_73, %add3A_74 : i32
      %max3A = arith.constant 0 : i32
      %max3A_76 = arith.maxsi %max3A, %add3A_75 : i32
      %jit3A = arith.constant 128 : i32
      %div3A = arith.divsi %max3A_76, %jit3A : i32
      %sign3A = arith.constant 0 : i32
      %sign3A_77 = arith.cmpi sgt, %max3A_76, %sign3A : i32
      %sign3A_78 = arith.extui %sign3A_77 : i1 to i32
      %sign3A_79 = arith.constant 0 : i32
      %sign3A_80 = arith.cmpi slt, %max3A_76, %sign3A_79 : i32
      %sign3A_81 = arith.extui %sign3A_80 : i1 to i32
      %sign3A_82 = arith.subi %sign3A_78, %sign3A_81 : i32
      %sign3A_83 = arith.constant 0 : i32
      %sign3A_84 = arith.cmpi sgt, %jit3A, %sign3A_83 : i32
      %sign3A_85 = arith.extui %sign3A_84 : i1 to i32
      %sign3A_86 = arith.constant 0 : i32
      %sign3A_87 = arith.cmpi slt, %jit3A, %sign3A_86 : i32
      %sign3A_88 = arith.extui %sign3A_87 : i1 to i32
      %sign3A_89 = arith.subi %sign3A_85, %sign3A_88 : i32
      %ne3A = arith.cmpi ne, %sign3A_82, %sign3A_89 : i32
      %rem3A = arith.remsi %max3A_76, %jit3A : i32
      %ne3A_90 = arith.constant 0 : i32
      %ne3A_91 = arith.cmpi ne, %rem3A, %ne3A_90 : i32
      %and3A = arith.andi %ne3A, %ne3A_91 : i1
      %sub3A_92 = arith.constant 1 : i32
      %sub3A_93 = arith.subi %div3A, %sub3A_92 : i32
      %select_n3A = arith.select %and3A, %sub3A_93, %div3A : i32
      %min3A = arith.constant 15 : i32
      %min3A_94 = arith.minsi %select_n3A, %min3A : i32
      %mul3A_95 = arith.constant 128 : i32
      %mul3A_96 = arith.muli %min3A_94, %mul3A_95 : i32
      %add3A_97 = arith.constant 0 : i32
      %add3A_98 = arith.addi %mul3A_96, %add3A_97 : i32
      %add3A_99 = vector.broadcast %add3A_98 : i32 to vector<16xi32>
      %add3A_100 = arith.addi %iota3A, %add3A_99 : vector<16xi32>
      %add3A_101 = arith.constant 0 : i32
      %add3A_102 = arith.addi %mul3A_96, %add3A_101 : i32
      %get3A = arith.index_cast %add3A_66 : i32 to index
      %get3A_103 = arith.index_cast %add3A_102 : i32 to index
      %get3A_104 = tpu.vector_load %arg4[%get3A, %get3A_103] {strides = array<i32>} : memref<32x2048xf32, #tpu.memory_space<vmem>>, vector<16xf32>,
      %add3A_105 = vector.broadcast %sub3A_69 : i32 to vector<16xi32>
      %add3A_106 = arith.addi %add3A_100, %add3A_105 : vector<16xi32>
      %ge3A = vector.broadcast %max3A_76 : i32 to vector<16xi32>
      %ge3A_107 = arith.cmpi sge, %add3A_100, %ge3A : vector<16xi32>
      %lt3A = arith.constant 2047 : i32
      %lt3A_108 = vector.broadcast %lt3A : i32 to vector<16xi32>
      %lt3A_109 = arith.cmpi slt, %add3A_100, %lt3A_108 : vector<16xi32>
      %and3A_110 = arith.andi %ge3A_107, %lt3A_109 : vector<16xi1>
      tpu.vector_store_idx %arg5[%add3A_106], %get3A_104 masked %and3A_110 {add = true} : memref<4096xf32, #tpu.memory_space<vmem>>[vector<16xi32>], vector<16xf32>, vector<16xi1>
      %add3A_111 = arith.constant 16 : i32
      %add3A_112 = arith.addi %mul3A_96, %add3A_111 : i32
      %add3A_113 = vector.broadcast %add3A_112 : i32 to vector<16xi32>
      %add3A_114 = arith.addi %iota3A, %add3A_113 : vector<16xi32>
      %add3A_115 = arith.constant 16 : i32
      %add3A_116 = arith.addi %mul3A_96, %add3A_115 : i32
      %get3A_117 = arith.index_cast %add3A_66 : i32 to index
      %get3A_118 = arith.index_cast %add3A_116 : i32 to index
      %get3A_119 = tpu.vector_load %arg4[%get3A_117, %get3A_118] {strides = array<i32>} : memref<32x2048xf32, #tpu.memory_space<vmem>>, vector<16xf32>,
      %add3A_120 = vector.broadcast %sub3A_69 : i32 to vector<16xi32>
      %add3A_121 = arith.addi %add3A_114, %add3A_120 : vector<16xi32>
      %ge3A_122 = vector.broadcast %max3A_76 : i32 to vector<16xi32>
      %ge3A_123 = arith.cmpi sge, %add3A_114, %ge3A_122 : vector<16xi32>
      %lt3A_124 = arith.constant 2047 : i32
      %lt3A_125 = vector.broadcast %lt3A_124 : i32 to vector<16xi32>
      %lt3A_126 = arith.cmpi slt, %add3A_114, %lt3A_125 : vector<16xi32>
      %and3A_127 = arith.andi %ge3A_123, %lt3A_126 : vector<16xi1>
      tpu.vector_store_idx %arg5[%add3A_121], %get3A_119 masked %and3A_127 {add = true} : memref<4096xf32, #tpu.memory_space<vmem>>[vector<16xi32>], vector<16xf32>, vector<16xi1>
      %add3A_128 = arith.constant 32 : i32
      %add3A_129 = arith.addi %mul3A_96, %add3A_128 : i32
      %add3A_130 = vector.broadcast %add3A_129 : i32 to vector<16xi32>
      %add3A_131 = arith.addi %iota3A, %add3A_130 : vector<16xi32>
      %add3A_132 = arith.constant 32 : i32
      %add3A_133 = arith.addi %mul3A_96, %add3A_132 : i32
      %get3A_134 = arith.index_cast %add3A_66 : i32 to index
      %get3A_135 = arith.index_cast %add3A_133 : i32 to index
      %get3A_136 = tpu.vector_load %arg4[%get3A_134, %get3A_135] {strides = array<i32>} : memref<32x2048xf32, #tpu.memory_space<vmem>>, vector<16xf32>,
      %add3A_137 = vector.broadcast %sub3A_69 : i32 to vector<16xi32>
      %add3A_138 = arith.addi %add3A_131, %add3A_137 : vector<16xi32>
      %ge3A_139 = vector.broadcast %max3A_76 : i32 to vector<16xi32>
      %ge3A_140 = arith.cmpi sge, %add3A_131, %ge3A_139 : vector<16xi32>
      %lt3A_141 = arith.constant 2047 : i32
      %lt3A_142 = vector.broadcast %lt3A_141 : i32 to vector<16xi32>
      %lt3A_143 = arith.cmpi slt, %add3A_131, %lt3A_142 : vector<16xi32>
      %and3A_144 = arith.andi %ge3A_140, %lt3A_143 : vector<16xi1>
      tpu.vector_store_idx %arg5[%add3A_138], %get3A_136 masked %and3A_144 {add = true} : memref<4096xf32, #tpu.memory_space<vmem>>[vector<16xi32>], vector<16xf32>, vector<16xi1>
      %add3A_145 = arith.constant 48 : i32
      %add3A_146 = arith.addi %mul3A_96, %add3A_145 : i32
      %add3A_147 = vector.broadcast %add3A_146 : i32 to vector<16xi32>
      %add3A_148 = arith.addi %iota3A, %add3A_147 : vector<16xi32>
      %add3A_149 = arith.constant 48 : i32
      %add3A_150 = arith.addi %mul3A_96, %add3A_149 : i32
      %get3A_151 = arith.index_cast %add3A_66 : i32 to index
      %get3A_152 = arith.index_cast %add3A_150 : i32 to index
      %get3A_153 = tpu.vector_load %arg4[%get3A_151, %get3A_152] {strides = array<i32>} : memref<32x2048xf32, #tpu.memory_space<vmem>>, vector<16xf32>,
      %add3A_154 = vector.broadcast %sub3A_69 : i32 to vector<16xi32>
      %add3A_155 = arith.addi %add3A_148, %add3A_154 : vector<16xi32>
      %ge3A_156 = vector.broadcast %max3A_76 : i32 to vector<16xi32>
      %ge3A_157 = arith.cmpi sge, %add3A_148, %ge3A_156 : vector<16xi32>
      %lt3A_158 = arith.constant 2047 : i32
      %lt3A_159 = vector.broadcast %lt3A_158 : i32 to vector<16xi32>
      %lt3A_160 = arith.cmpi slt, %add3A_148, %lt3A_159 : vector<16xi32>
      %and3A_161 = arith.andi %ge3A_157, %lt3A_160 : vector<16xi1>
      tpu.vector_store_idx %arg5[%add3A_155], %get3A_153 masked %and3A_161 {add = true} : memref<4096xf32, #tpu.memory_space<vmem>>[vector<16xi32>], vector<16xf32>, vector<16xi1>
      %add3A_162 = arith.constant 64 : i32
      %add3A_163 = arith.addi %mul3A_96, %add3A_162 : i32
      %add3A_164 = vector.broadcast %add3A_163 : i32 to vector<16xi32>
      %add3A_165 = arith.addi %iota3A, %add3A_164 : vector<16xi32>
      %add3A_166 = arith.constant 64 : i32
      %add3A_167 = arith.addi %mul3A_96, %add3A_166 : i32
      %get3A_168 = arith.index_cast %add3A_66 : i32 to index
      %get3A_169 = arith.index_cast %add3A_167 : i32 to index
      %get3A_170 = tpu.vector_load %arg4[%get3A_168, %get3A_169] {strides = array<i32>} : memref<32x2048xf32, #tpu.memory_space<vmem>>, vector<16xf32>,
      %add3A_171 = vector.broadcast %sub3A_69 : i32 to vector<16xi32>
      %add3A_172 = arith.addi %add3A_165, %add3A_171 : vector<16xi32>
      %ge3A_173 = vector.broadcast %max3A_76 : i32 to vector<16xi32>
      %ge3A_174 = arith.cmpi sge, %add3A_165, %ge3A_173 : vector<16xi32>
      %lt3A_175 = arith.constant 2047 : i32
      %lt3A_176 = vector.broadcast %lt3A_175 : i32 to vector<16xi32>
      %lt3A_177 = arith.cmpi slt, %add3A_165, %lt3A_176 : vector<16xi32>
      %and3A_178 = arith.andi %ge3A_174, %lt3A_177 : vector<16xi1>
      tpu.vector_store_idx %arg5[%add3A_172], %get3A_170 masked %and3A_178 {add = true} : memref<4096xf32, #tpu.memory_space<vmem>>[vector<16xi32>], vector<16xf32>, vector<16xi1>
      %add3A_179 = arith.constant 80 : i32
      %add3A_180 = arith.addi %mul3A_96, %add3A_179 : i32
      %add3A_181 = vector.broadcast %add3A_180 : i32 to vector<16xi32>
      %add3A_182 = arith.addi %iota3A, %add3A_181 : vector<16xi32>
      %add3A_183 = arith.constant 80 : i32
      %add3A_184 = arith.addi %mul3A_96, %add3A_183 : i32
      %get3A_185 = arith.index_cast %add3A_66 : i32 to index
      %get3A_186 = arith.index_cast %add3A_184 : i32 to index
      %get3A_187 = tpu.vector_load %arg4[%get3A_185, %get3A_186] {strides = array<i32>} : memref<32x2048xf32, #tpu.memory_space<vmem>>, vector<16xf32>,
      %add3A_188 = vector.broadcast %sub3A_69 : i32 to vector<16xi32>
      %add3A_189 = arith.addi %add3A_182, %add3A_188 : vector<16xi32>
      %ge3A_190 = vector.broadcast %max3A_76 : i32 to vector<16xi32>
      %ge3A_191 = arith.cmpi sge, %add3A_182, %ge3A_190 : vector<16xi32>
      %lt3A_192 = arith.constant 2047 : i32
      %lt3A_193 = vector.broadcast %lt3A_192 : i32 to vector<16xi32>
      %lt3A_194 = arith.cmpi slt, %add3A_182, %lt3A_193 : vector<16xi32>
      %and3A_195 = arith.andi %ge3A_191, %lt3A_194 : vector<16xi1>
      tpu.vector_store_idx %arg5[%add3A_189], %get3A_187 masked %and3A_195 {add = true} : memref<4096xf32, #tpu.memory_space<vmem>>[vector<16xi32>], vector<16xf32>, vector<16xi1>
      %add3A_196 = arith.constant 96 : i32
      %add3A_197 = arith.addi %mul3A_96, %add3A_196 : i32
      %add3A_198 = vector.broadcast %add3A_197 : i32 to vector<16xi32>
      %add3A_199 = arith.addi %iota3A, %add3A_198 : vector<16xi32>
      %add3A_200 = arith.constant 96 : i32
      %add3A_201 = arith.addi %mul3A_96, %add3A_200 : i32
      %get3A_202 = arith.index_cast %add3A_66 : i32 to index
      %get3A_203 = arith.index_cast %add3A_201 : i32 to index
      %get3A_204 = tpu.vector_load %arg4[%get3A_202, %get3A_203] {strides = array<i32>} : memref<32x2048xf32, #tpu.memory_space<vmem>>, vector<16xf32>,
      %add3A_205 = vector.broadcast %sub3A_69 : i32 to vector<16xi32>
      %add3A_206 = arith.addi %add3A_199, %add3A_205 : vector<16xi32>
      %ge3A_207 = vector.broadcast %max3A_76 : i32 to vector<16xi32>
      %ge3A_208 = arith.cmpi sge, %add3A_199, %ge3A_207 : vector<16xi32>
      %lt3A_209 = arith.constant 2047 : i32
      %lt3A_210 = vector.broadcast %lt3A_209 : i32 to vector<16xi32>
      %lt3A_211 = arith.cmpi slt, %add3A_199, %lt3A_210 : vector<16xi32>
      %and3A_212 = arith.andi %ge3A_208, %lt3A_211 : vector<16xi1>
      tpu.vector_store_idx %arg5[%add3A_206], %get3A_204 masked %and3A_212 {add = true} : memref<4096xf32, #tpu.memory_space<vmem>>[vector<16xi32>], vector<16xf32>, vector<16xi1>
      %add3A_213 = arith.constant 112 : i32
      %add3A_214 = arith.addi %mul3A_96, %add3A_213 : i32
      %add3A_215 = vector.broadcast %add3A_214 : i32 to vector<16xi32>
      %add3A_216 = arith.addi %iota3A, %add3A_215 : vector<16xi32>
      %add3A_217 = arith.constant 112 : i32
      %add3A_218 = arith.addi %mul3A_96, %add3A_217 : i32
      %get3A_219 = arith.index_cast %add3A_66 : i32 to index
      %get3A_220 = arith.index_cast %add3A_218 : i32 to index
      %get3A_221 = tpu.vector_load %arg4[%get3A_219, %get3A_220] {strides = array<i32>} : memref<32x2048xf32, #tpu.memory_space<vmem>>, vector<16xf32>,
      %add3A_222 = vector.broadcast %sub3A_69 : i32 to vector<16xi32>
      %add3A_223 = arith.addi %add3A_216, %add3A_222 : vector<16xi32>
      %ge3A_224 = vector.broadcast %max3A_76 : i32 to vector<16xi32>
      %ge3A_225 = arith.cmpi sge, %add3A_216, %ge3A_224 : vector<16xi32>
      %lt3A_226 = arith.constant 2047 : i32
      %lt3A_227 = vector.broadcast %lt3A_226 : i32 to vector<16xi32>
      %lt3A_228 = arith.cmpi slt, %add3A_216, %lt3A_227 : vector<16xi32>
      %and3A_229 = arith.andi %ge3A_225, %lt3A_228 : vector<16xi1>
      tpu.vector_store_idx %arg5[%add3A_223], %get3A_221 masked %and3A_229 {add = true} : memref<4096xf32, #tpu.memory_space<vmem>>[vector<16xi32>], vector<16xf32>, vector<16xi1>
      %add3A_230 = arith.constant 1 : i32
      %add3A_231 = arith.addi %min3A_94, %add3A_230 : i32
      %parallel_loop3A_232 = arith.constant 15 : i32
      %parallel_loop3A_233 = arith.constant 1 : i32
      scf.for %parallel_loop3A_237 = %add3A_231 to %parallel_loop3A_232 step %parallel_loop3A_233  : i32 {
        %parallel_loop3A_238 = arith.constant 128 : i32
        %parallel_loop3A_239 = arith.muli %parallel_loop3A_237, %parallel_loop3A_238 : i32
        %parallel_loop3A_240 = arith.constant 0 : i32
        %parallel_loop3A_241 = arith.addi %parallel_loop3A_239, %parallel_loop3A_240 : i32
        %parallel_loop3A_242 = arith.index_cast %add3A_66 : i32 to index
        %parallel_loop3A_243 = arith.index_cast %parallel_loop3A_241 : i32 to index
        %parallel_loop3A_244 = tpu.vector_load %arg4[%parallel_loop3A_242, %parallel_loop3A_243] {strides = array<i32>} : memref<32x2048xf32, #tpu.memory_space<vmem>>, vector<16xf32>,
        %parallel_loop3A_245 = arith.constant 0 : i32
        %parallel_loop3A_246 = arith.addi %parallel_loop3A_239, %parallel_loop3A_245 : i32
        %parallel_loop3A_247 = arith.addi %parallel_loop3A_246, %sub3A_69 : i32
        %parallel_loop3A_248 = arith.index_cast %parallel_loop3A_247 : i32 to index
        %parallel_loop3A_249 = tpu.vector_load %arg5[%parallel_loop3A_248] {strides = array<i32>} : memref<4096xf32, #tpu.memory_space<vmem>>, vector<16xf32>,
        tpu.vector_store %arg5[%parallel_loop3A_248], %parallel_loop3A_244 {add = true, strides = array<i32>} : memref<4096xf32, #tpu.memory_space<vmem>>, vector<16xf32>,
        %parallel_loop3A_250 = arith.constant 16 : i32
        %parallel_loop3A_251 = arith.addi %parallel_loop3A_239, %parallel_loop3A_250 : i32
        %parallel_loop3A_252 = arith.index_cast %add3A_66 : i32 to index
        %parallel_loop3A_253 = arith.index_cast %parallel_loop3A_251 : i32 to index
        %parallel_loop3A_254 = tpu.vector_load %arg4[%parallel_loop3A_252, %parallel_loop3A_253] {strides = array<i32>} : memref<32x2048xf32, #tpu.memory_space<vmem>>, vector<16xf32>,
        %parallel_loop3A_255 = arith.constant 16 : i32
        %parallel_loop3A_256 = arith.addi %parallel_loop3A_239, %parallel_loop3A_255 : i32
        %parallel_loop3A_257 = arith.addi %parallel_loop3A_256, %sub3A_69 : i32
        %parallel_loop3A_258 = arith.index_cast %parallel_loop3A_257 : i32 to index
        %parallel_loop3A_259 = tpu.vector_load %arg5[%parallel_loop3A_258] {strides = array<i32>} : memref<4096xf32, #tpu.memory_space<vmem>>, vector<16xf32>,
        tpu.vector_store %arg5[%parallel_loop3A_258], %parallel_loop3A_254 {add = true, strides = array<i32>} : memref<4096xf32, #tpu.memory_space<vmem>>, vector<16xf32>,
        %parallel_loop3A_260 = arith.constant 32 : i32
        %parallel_loop3A_261 = arith.addi %parallel_loop3A_239, %parallel_loop3A_260 : i32
        %parallel_loop3A_262 = arith.index_cast %add3A_66 : i32 to index
        %parallel_loop3A_263 = arith.index_cast %parallel_loop3A_261 : i32 to index
        %parallel_loop3A_264 = tpu.vector_load %arg4[%parallel_loop3A_262, %parallel_loop3A_263] {strides = array<i32>} : memref<32x2048xf32, #tpu.memory_space<vmem>>, vector<16xf32>,
        %parallel_loop3A_265 = arith.constant 32 : i32
        %parallel_loop3A_266 = arith.addi %parallel_loop3A_239, %parallel_loop3A_265 : i32
        %parallel_loop3A_267 = arith.addi %parallel_loop3A_266, %sub3A_69 : i32
        %parallel_loop3A_268 = arith.index_cast %parallel_loop3A_267 : i32 to index
        %parallel_loop3A_269 = tpu.vector_load %arg5[%parallel_loop3A_268] {strides = array<i32>} : memref<4096xf32, #tpu.memory_space<vmem>>, vector<16xf32>,
        tpu.vector_store %arg5[%parallel_loop3A_268], %parallel_loop3A_264 {add = true, strides = array<i32>} : memref<4096xf32, #tpu.memory_space<vmem>>, vector<16xf32>,
        %parallel_loop3A_270 = arith.constant 48 : i32
        %parallel_loop3A_271 = arith.addi %parallel_loop3A_239, %parallel_loop3A_270 : i32
        %parallel_loop3A_272 = arith.index_cast %add3A_66 : i32 to index
        %parallel_loop3A_273 = arith.index_cast %parallel_loop3A_271 : i32 to index
        %parallel_loop3A_274 = tpu.vector_load %arg4[%parallel_loop3A_272, %parallel_loop3A_273] {strides = array<i32>} : memref<32x2048xf32, #tpu.memory_space<vmem>>, vector<16xf32>,
        %parallel_loop3A_275 = arith.constant 48 : i32
        %parallel_loop3A_276 = arith.addi %parallel_loop3A_239, %parallel_loop3A_275 : i32
        %parallel_loop3A_277 = arith.addi %parallel_loop3A_276, %sub3A_69 : i32
        %parallel_loop3A_278 = arith.index_cast %parallel_loop3A_277 : i32 to index
        %parallel_loop3A_279 = tpu.vector_load %arg5[%parallel_loop3A_278] {strides = array<i32>} : memref<4096xf32, #tpu.memory_space<vmem>>, vector<16xf32>,
        tpu.vector_store %arg5[%parallel_loop3A_278], %parallel_loop3A_274 {add = true, strides = array<i32>} : memref<4096xf32, #tpu.memory_space<vmem>>, vector<16xf32>,
        %parallel_loop3A_280 = arith.constant 64 : i32
        %parallel_loop3A_281 = arith.addi %parallel_loop3A_239, %parallel_loop3A_280 : i32
        %parallel_loop3A_282 = arith.index_cast %add3A_66 : i32 to index
        %parallel_loop3A_283 = arith.index_cast %parallel_loop3A_281 : i32 to index
        %parallel_loop3A_284 = tpu.vector_load %arg4[%parallel_loop3A_282, %parallel_loop3A_283] {strides = array<i32>} : memref<32x2048xf32, #tpu.memory_space<vmem>>, vector<16xf32>,
        %parallel_loop3A_285 = arith.constant 64 : i32
        %parallel_loop3A_286 = arith.addi %parallel_loop3A_239, %parallel_loop3A_285 : i32
        %parallel_loop3A_287 = arith.addi %parallel_loop3A_286, %sub3A_69 : i32
        %parallel_loop3A_288 = arith.index_cast %parallel_loop3A_287 : i32 to index
        %parallel_loop3A_289 = tpu.vector_load %arg5[%parallel_loop3A_288] {strides = array<i32>} : memref<4096xf32, #tpu.memory_space<vmem>>, vector<16xf32>,
        tpu.vector_store %arg5[%parallel_loop3A_288], %parallel_loop3A_284 {add = true, strides = array<i32>} : memref<4096xf32, #tpu.memory_space<vmem>>, vector<16xf32>,
        %parallel_loop3A_290 = arith.constant 80 : i32
        %parallel_loop3A_291 = arith.addi %parallel_loop3A_239, %parallel_loop3A_290 : i32
        %parallel_loop3A_292 = arith.index_cast %add3A_66 : i32 to index
        %parallel_loop3A_293 = arith.index_cast %parallel_loop3A_291 : i32 to index
        %parallel_loop3A_294 = tpu.vector_load %arg4[%parallel_loop3A_292, %parallel_loop3A_293] {strides = array<i32>} : memref<32x2048xf32, #tpu.memory_space<vmem>>, vector<16xf32>,
        %parallel_loop3A_295 = arith.constant 80 : i32
        %parallel_loop3A_296 = arith.addi %parallel_loop3A_239, %parallel_loop3A_295 : i32
        %parallel_loop3A_297 = arith.addi %parallel_loop3A_296, %sub3A_69 : i32
        %parallel_loop3A_298 = arith.index_cast %parallel_loop3A_297 : i32 to index
        %parallel_loop3A_299 = tpu.vector_load %arg5[%parallel_loop3A_298] {strides = array<i32>} : memref<4096xf32, #tpu.memory_space<vmem>>, vector<16xf32>,
        tpu.vector_store %arg5[%parallel_loop3A_298], %parallel_loop3A_294 {add = true, strides = array<i32>} : memref<4096xf32, #tpu.memory_space<vmem>>, vector<16xf32>,
        %parallel_loop3A_300 = arith.constant 96 : i32
        %parallel_loop3A_301 = arith.addi %parallel_loop3A_239, %parallel_loop3A_300 : i32
        %parallel_loop3A_302 = arith.index_cast %add3A_66 : i32 to index
        %parallel_loop3A_303 = arith.index_cast %parallel_loop3A_301 : i32 to index
        %parallel_loop3A_304 = tpu.vector_load %arg4[%parallel_loop3A_302, %parallel_loop3A_303] {strides = array<i32>} : memref<32x2048xf32, #tpu.memory_space<vmem>>, vector<16xf32>,
        %parallel_loop3A_305 = arith.constant 96 : i32
        %parallel_loop3A_306 = arith.addi %parallel_loop3A_239, %parallel_loop3A_305 : i32
        %parallel_loop3A_307 = arith.addi %parallel_loop3A_306, %sub3A_69 : i32
        %parallel_loop3A_308 = arith.index_cast %parallel_loop3A_307 : i32 to index
        %parallel_loop3A_309 = tpu.vector_load %arg5[%parallel_loop3A_308] {strides = array<i32>} : memref<4096xf32, #tpu.memory_space<vmem>>, vector<16xf32>,
        tpu.vector_store %arg5[%parallel_loop3A_308], %parallel_loop3A_304 {add = true, strides = array<i32>} : memref<4096xf32, #tpu.memory_space<vmem>>, vector<16xf32>,
        %parallel_loop3A_310 = arith.constant 112 : i32
        %parallel_loop3A_311 = arith.addi %parallel_loop3A_239, %parallel_loop3A_310 : i32
        %parallel_loop3A_312 = arith.index_cast %add3A_66 : i32 to index
        %parallel_loop3A_313 = arith.index_cast %parallel_loop3A_311 : i32 to index
        %parallel_loop3A_314 = tpu.vector_load %arg4[%parallel_loop3A_312, %parallel_loop3A_313] {strides = array<i32>} : memref<32x2048xf32, #tpu.memory_space<vmem>>, vector<16xf32>,
        %parallel_loop3A_315 = arith.constant 112 : i32
        %parallel_loop3A_316 = arith.addi %parallel_loop3A_239, %parallel_loop3A_315 : i32
        %parallel_loop3A_317 = arith.addi %parallel_loop3A_316, %sub3A_69 : i32
        %parallel_loop3A_318 = arith.index_cast %parallel_loop3A_317 : i32 to index
        %parallel_loop3A_319 = tpu.vector_load %arg5[%parallel_loop3A_318] {strides = array<i32>} : memref<4096xf32, #tpu.memory_space<vmem>>, vector<16xf32>,
        tpu.vector_store %arg5[%parallel_loop3A_318], %parallel_loop3A_314 {add = true, strides = array<i32>} : memref<4096xf32, #tpu.memory_space<vmem>>, vector<16xf32>,
      } {sc.loop_unroll_factor = 1 : i64, sc.parallel_access}
      %lt3A_234 = arith.constant 15 : i32
      %lt3A_235 = arith.cmpi slt, %min3A_94, %lt3A_234 : i32
      %convert_element_type3A = arith.extui %lt3A_235 : i1 to i32
      %cond3A = arith.constant 0 : i32
      %cond3A_236 = arith.cmpi ne, %convert_element_type3A, %cond3A : i32
      scf.if %cond3A_236 {
        %get3A_237 = arith.index_cast %add3A_66 : i32 to index
        %get3A_238 = arith.constant 1920 : index
        %get3A_239 = tpu.vector_load %arg4[%get3A_237, %get3A_238] {strides = array<i32>} : memref<32x2048xf32, #tpu.memory_space<vmem>>, vector<16xf32>,
        %add3A_240 = arith.constant 1920 : i32
        %add3A_241 = arith.addi %add3A_240, %sub3A_69 : i32
        %swap3A = arith.index_cast %add3A_241 : i32 to index
        %swap3A_242 = tpu.vector_load %arg5[%swap3A] {strides = array<i32>} : memref<4096xf32, #tpu.memory_space<vmem>>, vector<16xf32>,
        tpu.vector_store %arg5[%swap3A], %get3A_239 {add = true, strides = array<i32>} : memref<4096xf32, #tpu.memory_space<vmem>>, vector<16xf32>,
        %get3A_243 = arith.index_cast %add3A_66 : i32 to index
        %get3A_244 = arith.constant 1936 : index
        %get3A_245 = tpu.vector_load %arg4[%get3A_243, %get3A_244] {strides = array<i32>} : memref<32x2048xf32, #tpu.memory_space<vmem>>, vector<16xf32>,
        %add3A_246 = arith.constant 1936 : i32
        %add3A_247 = arith.addi %add3A_246, %sub3A_69 : i32
        %swap3A_248 = arith.index_cast %add3A_247 : i32 to index
        %swap3A_249 = tpu.vector_load %arg5[%swap3A_248] {strides = array<i32>} : memref<4096xf32, #tpu.memory_space<vmem>>, vector<16xf32>,
        tpu.vector_store %arg5[%swap3A_248], %get3A_245 {add = true, strides = array<i32>} : memref<4096xf32, #tpu.memory_space<vmem>>, vector<16xf32>,
        %get3A_250 = arith.index_cast %add3A_66 : i32 to index
        %get3A_251 = arith.constant 1952 : index
        %get3A_252 = tpu.vector_load %arg4[%get3A_250, %get3A_251] {strides = array<i32>} : memref<32x2048xf32, #tpu.memory_space<vmem>>, vector<16xf32>,
        %add3A_253 = arith.constant 1952 : i32
        %add3A_254 = arith.addi %add3A_253, %sub3A_69 : i32
        %swap3A_255 = arith.index_cast %add3A_254 : i32 to index
        %swap3A_256 = tpu.vector_load %arg5[%swap3A_255] {strides = array<i32>} : memref<4096xf32, #tpu.memory_space<vmem>>, vector<16xf32>,
        tpu.vector_store %arg5[%swap3A_255], %get3A_252 {add = true, strides = array<i32>} : memref<4096xf32, #tpu.memory_space<vmem>>, vector<16xf32>,
        %get3A_257 = arith.index_cast %add3A_66 : i32 to index
        %get3A_258 = arith.constant 1968 : index
        %get3A_259 = tpu.vector_load %arg4[%get3A_257, %get3A_258] {strides = array<i32>} : memref<32x2048xf32, #tpu.memory_space<vmem>>, vector<16xf32>,
        %add3A_260 = arith.constant 1968 : i32
        %add3A_261 = arith.addi %add3A_260, %sub3A_69 : i32
        %swap3A_262 = arith.index_cast %add3A_261 : i32 to index
        %swap3A_263 = tpu.vector_load %arg5[%swap3A_262] {strides = array<i32>} : memref<4096xf32, #tpu.memory_space<vmem>>, vector<16xf32>,
        tpu.vector_store %arg5[%swap3A_262], %get3A_259 {add = true, strides = array<i32>} : memref<4096xf32, #tpu.memory_space<vmem>>, vector<16xf32>,
        %get3A_264 = arith.index_cast %add3A_66 : i32 to index
        %get3A_265 = arith.constant 1984 : index
        %get3A_266 = tpu.vector_load %arg4[%get3A_264, %get3A_265] {strides = array<i32>} : memref<32x2048xf32, #tpu.memory_space<vmem>>, vector<16xf32>,
        %add3A_267 = arith.constant 1984 : i32
        %add3A_268 = arith.addi %add3A_267, %sub3A_69 : i32
        %swap3A_269 = arith.index_cast %add3A_268 : i32 to index
        %swap3A_270 = tpu.vector_load %arg5[%swap3A_269] {strides = array<i32>} : memref<4096xf32, #tpu.memory_space<vmem>>, vector<16xf32>,
        tpu.vector_store %arg5[%swap3A_269], %get3A_266 {add = true, strides = array<i32>} : memref<4096xf32, #tpu.memory_space<vmem>>, vector<16xf32>,
        %get3A_271 = arith.index_cast %add3A_66 : i32 to index
        %get3A_272 = arith.constant 2000 : index
        %get3A_273 = tpu.vector_load %arg4[%get3A_271, %get3A_272] {strides = array<i32>} : memref<32x2048xf32, #tpu.memory_space<vmem>>, vector<16xf32>,
        %add3A_274 = arith.constant 2000 : i32
        %add3A_275 = arith.addi %add3A_274, %sub3A_69 : i32
        %swap3A_276 = arith.index_cast %add3A_275 : i32 to index
        %swap3A_277 = tpu.vector_load %arg5[%swap3A_276] {strides = array<i32>} : memref<4096xf32, #tpu.memory_space<vmem>>, vector<16xf32>,
        tpu.vector_store %arg5[%swap3A_276], %get3A_273 {add = true, strides = array<i32>} : memref<4096xf32, #tpu.memory_space<vmem>>, vector<16xf32>,
        %get3A_278 = arith.index_cast %add3A_66 : i32 to index
        %get3A_279 = arith.constant 2016 : index
        %get3A_280 = tpu.vector_load %arg4[%get3A_278, %get3A_279] {strides = array<i32>} : memref<32x2048xf32, #tpu.memory_space<vmem>>, vector<16xf32>,
        %add3A_281 = arith.constant 2016 : i32
        %add3A_282 = arith.addi %add3A_281, %sub3A_69 : i32
        %swap3A_283 = arith.index_cast %add3A_282 : i32 to index
        %swap3A_284 = tpu.vector_load %arg5[%swap3A_283] {strides = array<i32>} : memref<4096xf32, #tpu.memory_space<vmem>>, vector<16xf32>,
        tpu.vector_store %arg5[%swap3A_283], %get3A_280 {add = true, strides = array<i32>} : memref<4096xf32, #tpu.memory_space<vmem>>, vector<16xf32>,
        %add3A_285 = arith.constant 2032 : i32
        %add3A_286 = vector.broadcast %add3A_285 : i32 to vector<16xi32>
        %add3A_287 = arith.addi %iota3A, %add3A_286 : vector<16xi32>
        %get3A_288 = arith.index_cast %add3A_66 : i32 to index
        %get3A_289 = arith.constant 2032 : index
        %get3A_290 = tpu.vector_load %arg4[%get3A_288, %get3A_289] {strides = array<i32>} : memref<32x2048xf32, #tpu.memory_space<vmem>>, vector<16xf32>,
        %add3A_291 = vector.broadcast %sub3A_69 : i32 to vector<16xi32>
        %add3A_292 = arith.addi %add3A_287, %add3A_291 : vector<16xi32>
        %lt3A_293 = arith.constant 2047 : i32
        %lt3A_294 = vector.broadcast %lt3A_293 : i32 to vector<16xi32>
        %lt3A_295 = arith.cmpi slt, %add3A_287, %lt3A_294 : vector<16xi32>
        tpu.vector_store_idx %arg5[%add3A_292], %get3A_290 masked %lt3A_295 {add = true} : memref<4096xf32, #tpu.memory_space<vmem>>[vector<16xi32>], vector<16xf32>, vector<16xi1>
      } else {
      }
    }
    %scan3A_63 = arith.constant 16 : i32
    "tpu.region"() ({
      %run_scoped3A = tpu.sem_alloc : memref<!tpu.dma_semaphore, #tpu.memory_space<semaphore_mem>>
      %dma_start3A_64 = arith.constant 0 : i32
      %dma_start3A_65 = tpu.memref_slice %arg3[%add3A, %dma_start3A_64] : memref<32x4096xf32, #tpu.memory_space<hbm>> -> memref<1x4096xf32, #tpu.memory_space<hbm>>
      %dma_start3A_66 = tpu.memref_squeeze %dma_start3A_65 : memref<1x4096xf32, #tpu.memory_space<hbm>> -> memref<4096xf32, #tpu.memory_space<hbm>>
      %dma_start3A_67 = arith.constant 0 : i32
      %dma_start3A_68 = tpu.memref_slice %arg3[%add3A, %dma_start3A_67] : memref<32x4096xf32, #tpu.memory_space<hbm>> -> memref<1x4096xf32, #tpu.memory_space<hbm>>
      %dma_start3A_69 = tpu.memref_squeeze %dma_start3A_68 : memref<1x4096xf32, #tpu.memory_space<hbm>> -> memref<4096xf32, #tpu.memory_space<hbm>>
      tpu.enqueue_dma source(%arg5 : memref<4096xf32, #tpu.memory_space<vmem>>) target(%dma_start3A_69 : memref<4096xf32, #tpu.memory_space<hbm>>) target_semaphore(%run_scoped3A : memref<!tpu.dma_semaphore, #tpu.memory_space<semaphore_mem>>)
      %dma_wait3A_70 = arith.constant 0 : i32
      %dma_wait3A_71 = tpu.memref_slice %arg3[%add3A, %dma_wait3A_70] : memref<32x4096xf32, #tpu.memory_space<hbm>> -> memref<1x4096xf32, #tpu.memory_space<hbm>>
      %dma_wait3A_72 = tpu.memref_squeeze %dma_wait3A_71 : memref<1x4096xf32, #tpu.memory_space<hbm>> -> memref<4096xf32, #tpu.memory_space<hbm>>
      %dma_wait3A_73 = arith.constant 0 : i32
      %dma_wait3A_74 = tpu.memref_slice %arg3[%add3A, %dma_wait3A_73] : memref<32x4096xf32, #tpu.memory_space<hbm>> -> memref<1x4096xf32, #tpu.memory_space<hbm>>
      %dma_wait3A_75 = tpu.memref_squeeze %dma_wait3A_74 : memref<1x4096xf32, #tpu.memory_space<hbm>> -> memref<4096xf32, #tpu.memory_space<hbm>>
      tpu.wait_dma2 semaphore(%run_scoped3A : memref<!tpu.dma_semaphore, #tpu.memory_space<semaphore_mem>>) src(%arg5 : memref<4096xf32, #tpu.memory_space<vmem>>) dst(%dma_wait3A_75 : memref<4096xf32, #tpu.memory_space<hbm>>)
      tpu.yield
    }) : () -> ()
    return
  }
}

module attributes {stable_mosaic.version = 14 : i64} {
  func.func @_tc_top_body(%arg0: i32, %arg1: memref<128x2048xf32, #tpu.memory_space<vmem>>, %arg2: memref<1x4224xf32, #tpu.memory_space<vmem>>) attributes {dimension_semantics = [#tpu.dimension_semantics<arbitrary>], iteration_bounds = array<i64: 8>, scalar_prefetch = 0 : i64, scratch_operands = 0 : i64, tpu.core_type = #tpu.core_type<tc>, window_params = [{transform_indices = @transform_0, window_bounds = array<i64: 128, 2048>}, {pipeline_mode = #tpu.pipeline_mode<synchronous>, transform_indices = @transform_1, window_bounds = array<i64: 1, 4224>}]} {
    %eq3A = arith.constant 0 : i32
    %eq3A_0 = arith.cmpi eq, %arg0, %eq3A : i32
    %convert_element_type3A = arith.extui %eq3A_0 : i1 to i32
    %cond3A = arith.constant 0 : i32
    %cond3A_1 = arith.cmpi ne, %convert_element_type3A, %cond3A : i32
    scf.if %cond3A_1 {
      %broadcast_in_dim3A_106 = arith.constant 0.000000e+00 : f32
      %broadcast_in_dim3A_107 = vector.broadcast %broadcast_in_dim3A_106 : f32 to vector<1x4224xf32>
      %swap3A = arith.constant 0 : index
      %swap3A_108 = arith.constant 0 : index
      %swap3A_109 = vector.load %arg2[%swap3A, %swap3A_108] : memref<1x4224xf32, #tpu.memory_space<vmem>>, vector<1x4224xf32>
      tpu.vector_store %arg2[%swap3A, %swap3A_108], %broadcast_in_dim3A_107 {strides = array<i32>} : memref<1x4224xf32, #tpu.memory_space<vmem>>, vector<1x4224xf32>,
    } else {
    }
    %get3A = arith.constant 0 : index
    %get3A_2 = arith.constant 0 : index
    %get3A_3 = vector.load %arg1[%get3A, %get3A_2] : memref<128x2048xf32, #tpu.memory_space<vmem>>, vector<128x2048xf32>
    %iota3A = tpu.iota {dimensions = array<i32: 1>} : vector<128x2048xi32>
    %lt3A = arith.constant 2047 : i32
    %lt3A_4 = vector.broadcast %lt3A : i32 to vector<128x2048xi32>
    %lt3A_5 = arith.cmpi slt, %iota3A, %lt3A_4 : vector<128x2048xi32>
    %jit3A = arith.constant 0.000000e+00 : f32
    %broadcast_in_dim3A = vector.broadcast %jit3A : f32 to vector<128x2048xf32>
    %select_n3A = arith.select %lt3A_5, %get3A_3, %broadcast_in_dim3A : vector<128x2048xi1>, vector<128x2048xf32>
    %broadcast_in_dim3A_6 = arith.constant 0.000000e+00 : f32
    %broadcast_in_dim3A_7 = vector.broadcast %broadcast_in_dim3A_6 : f32 to vector<128x128xf32>
    %concatenate3A = tpu.concatenate %select_n3A, %broadcast_in_dim3A_7 in 1 : vector<128x2048xf32>, vector<128x128xf32> -> vector<128x2176xf32>
    %roll3A = arith.constant 1 : i32
    %roll3A_8 = tpu.dynamic_rotate %concatenate3A by %roll3A dim 1 : vector<128x2176xf32>, i32 -> vector<128x2176xf32>
    %reshape3A = vector.shape_cast %roll3A_8 : vector<128x2176xf32> to vector<64x2x2176xf32>
    %slice3A = vector.extract_strided_slice %reshape3A {offsets = [0, 0, 0], sizes = [64, 1, 2176], strides = [1, 1, 1]} : vector<64x2x2176xf32> to vector<64x1x2176xf32>
    %squeeze3A = vector.shape_cast %slice3A : vector<64x1x2176xf32> to vector<64x2176xf32>
    %reshape3A_9 = vector.shape_cast %concatenate3A : vector<128x2176xf32> to vector<64x2x2176xf32>
    %slice3A_10 = vector.extract_strided_slice %reshape3A_9 {offsets = [0, 1, 0], sizes = [64, 1, 2176], strides = [1, 1, 1]} : vector<64x2x2176xf32> to vector<64x1x2176xf32>
    %squeeze3A_11 = vector.shape_cast %slice3A_10 : vector<64x1x2176xf32> to vector<64x2176xf32>
    %add3A = arith.addf %squeeze3A, %squeeze3A_11 : vector<64x2176xf32>
    %roll3A_12 = arith.constant 2 : i32
    %roll3A_13 = tpu.dynamic_rotate %add3A by %roll3A_12 dim 1 : vector<64x2176xf32>, i32 -> vector<64x2176xf32>
    %reshape3A_14 = vector.shape_cast %roll3A_13 : vector<64x2176xf32> to vector<32x2x2176xf32>
    %slice3A_15 = vector.extract_strided_slice %reshape3A_14 {offsets = [0, 0, 0], sizes = [32, 1, 2176], strides = [1, 1, 1]} : vector<32x2x2176xf32> to vector<32x1x2176xf32>
    %squeeze3A_16 = vector.shape_cast %slice3A_15 : vector<32x1x2176xf32> to vector<32x2176xf32>
    %reshape3A_17 = vector.shape_cast %add3A : vector<64x2176xf32> to vector<32x2x2176xf32>
    %slice3A_18 = vector.extract_strided_slice %reshape3A_17 {offsets = [0, 1, 0], sizes = [32, 1, 2176], strides = [1, 1, 1]} : vector<32x2x2176xf32> to vector<32x1x2176xf32>
    %squeeze3A_19 = vector.shape_cast %slice3A_18 : vector<32x1x2176xf32> to vector<32x2176xf32>
    %add3A_20 = arith.addf %squeeze3A_16, %squeeze3A_19 : vector<32x2176xf32>
    %roll3A_21 = arith.constant 4 : i32
    %roll3A_22 = tpu.dynamic_rotate %add3A_20 by %roll3A_21 dim 1 : vector<32x2176xf32>, i32 -> vector<32x2176xf32>
    %reshape3A_23 = vector.shape_cast %roll3A_22 : vector<32x2176xf32> to vector<16x2x2176xf32>
    %slice3A_24 = vector.extract_strided_slice %reshape3A_23 {offsets = [0, 0, 0], sizes = [16, 1, 2176], strides = [1, 1, 1]} : vector<16x2x2176xf32> to vector<16x1x2176xf32>
    %squeeze3A_25 = vector.shape_cast %slice3A_24 : vector<16x1x2176xf32> to vector<16x2176xf32>
    %reshape3A_26 = vector.shape_cast %add3A_20 : vector<32x2176xf32> to vector<16x2x2176xf32>
    %slice3A_27 = vector.extract_strided_slice %reshape3A_26 {offsets = [0, 1, 0], sizes = [16, 1, 2176], strides = [1, 1, 1]} : vector<16x2x2176xf32> to vector<16x1x2176xf32>
    %squeeze3A_28 = vector.shape_cast %slice3A_27 : vector<16x1x2176xf32> to vector<16x2176xf32>
    %add3A_29 = arith.addf %squeeze3A_25, %squeeze3A_28 : vector<16x2176xf32>
    %roll3A_30 = arith.constant 8 : i32
    %roll3A_31 = tpu.dynamic_rotate %add3A_29 by %roll3A_30 dim 1 : vector<16x2176xf32>, i32 -> vector<16x2176xf32>
    %reshape3A_32 = vector.shape_cast %roll3A_31 : vector<16x2176xf32> to vector<8x2x2176xf32>
    %slice3A_33 = vector.extract_strided_slice %reshape3A_32 {offsets = [0, 0, 0], sizes = [8, 1, 2176], strides = [1, 1, 1]} : vector<8x2x2176xf32> to vector<8x1x2176xf32>
    %squeeze3A_34 = vector.shape_cast %slice3A_33 : vector<8x1x2176xf32> to vector<8x2176xf32>
    %reshape3A_35 = vector.shape_cast %add3A_29 : vector<16x2176xf32> to vector<8x2x2176xf32>
    %slice3A_36 = vector.extract_strided_slice %reshape3A_35 {offsets = [0, 1, 0], sizes = [8, 1, 2176], strides = [1, 1, 1]} : vector<8x2x2176xf32> to vector<8x1x2176xf32>
    %squeeze3A_37 = vector.shape_cast %slice3A_36 : vector<8x1x2176xf32> to vector<8x2176xf32>
    %add3A_38 = arith.addf %squeeze3A_34, %squeeze3A_37 : vector<8x2176xf32>
    %roll3A_39 = arith.constant 16 : i32
    %roll3A_40 = tpu.dynamic_rotate %add3A_38 by %roll3A_39 dim 1 : vector<8x2176xf32>, i32 -> vector<8x2176xf32>
    %reshape3A_41 = vector.shape_cast %roll3A_40 : vector<8x2176xf32> to vector<4x2x2176xf32>
    %slice3A_42 = vector.extract_strided_slice %reshape3A_41 {offsets = [0, 0, 0], sizes = [4, 1, 2176], strides = [1, 1, 1]} : vector<4x2x2176xf32> to vector<4x1x2176xf32>
    %squeeze3A_43 = vector.shape_cast %slice3A_42 : vector<4x1x2176xf32> to vector<4x2176xf32>
    %reshape3A_44 = vector.shape_cast %add3A_38 : vector<8x2176xf32> to vector<4x2x2176xf32>
    %slice3A_45 = vector.extract_strided_slice %reshape3A_44 {offsets = [0, 1, 0], sizes = [4, 1, 2176], strides = [1, 1, 1]} : vector<4x2x2176xf32> to vector<4x1x2176xf32>
    %squeeze3A_46 = vector.shape_cast %slice3A_45 : vector<4x1x2176xf32> to vector<4x2176xf32>
    %add3A_47 = arith.addf %squeeze3A_43, %squeeze3A_46 : vector<4x2176xf32>
    %roll3A_48 = arith.constant 32 : i32
    %roll3A_49 = tpu.dynamic_rotate %add3A_47 by %roll3A_48 dim 1 : vector<4x2176xf32>, i32 -> vector<4x2176xf32>
    %reshape3A_50 = vector.shape_cast %roll3A_49 : vector<4x2176xf32> to vector<2x2x2176xf32>
    %slice3A_51 = vector.extract_strided_slice %reshape3A_50 {offsets = [0, 0, 0], sizes = [2, 1, 2176], strides = [1, 1, 1]} : vector<2x2x2176xf32> to vector<2x1x2176xf32>
    %squeeze3A_52 = vector.shape_cast %slice3A_51 : vector<2x1x2176xf32> to vector<2x2176xf32>
    %reshape3A_53 = vector.shape_cast %add3A_47 : vector<4x2176xf32> to vector<2x2x2176xf32>
    %slice3A_54 = vector.extract_strided_slice %reshape3A_53 {offsets = [0, 1, 0], sizes = [2, 1, 2176], strides = [1, 1, 1]} : vector<2x2x2176xf32> to vector<2x1x2176xf32>
    %squeeze3A_55 = vector.shape_cast %slice3A_54 : vector<2x1x2176xf32> to vector<2x2176xf32>
    %add3A_56 = arith.addf %squeeze3A_52, %squeeze3A_55 : vector<2x2176xf32>
    %roll3A_57 = arith.constant 64 : i32
    %roll3A_58 = tpu.dynamic_rotate %add3A_56 by %roll3A_57 dim 1 : vector<2x2176xf32>, i32 -> vector<2x2176xf32>
    %reshape3A_59 = vector.shape_cast %roll3A_58 : vector<2x2176xf32> to vector<1x2x2176xf32>
    %slice3A_60 = vector.extract_strided_slice %reshape3A_59 {offsets = [0, 0, 0], sizes = [1, 1, 2176], strides = [1, 1, 1]} : vector<1x2x2176xf32> to vector<1x1x2176xf32>
    %squeeze3A_61 = vector.shape_cast %slice3A_60 : vector<1x1x2176xf32> to vector<1x2176xf32>
    %reshape3A_62 = vector.shape_cast %add3A_56 : vector<2x2176xf32> to vector<1x2x2176xf32>
    %slice3A_63 = vector.extract_strided_slice %reshape3A_62 {offsets = [0, 1, 0], sizes = [1, 1, 2176], strides = [1, 1, 1]} : vector<1x2x2176xf32> to vector<1x1x2176xf32>
    %squeeze3A_64 = vector.shape_cast %slice3A_63 : vector<1x1x2176xf32> to vector<1x2176xf32>
    %add3A_65 = arith.addf %squeeze3A_61, %squeeze3A_64 : vector<1x2176xf32>
    %eq3A_66 = arith.constant 0 : i32
    %eq3A_67 = arith.cmpi eq, %arg0, %eq3A_66 : i32
    %convert_element_type3A_68 = arith.extui %eq3A_67 : i1 to i32
    %cond3A_69 = arith.constant 0 : i32
    %cond3A_70 = arith.cmpi ne, %convert_element_type3A_68, %cond3A_69 : i32
    scf.if %cond3A_70 {
      %get3A_106 = arith.constant 0 : index
      %get3A_107 = arith.constant 1921 : index
      %get3A_108 = vector.load %arg2[%get3A_106, %get3A_107] : memref<1x4224xf32, #tpu.memory_space<vmem>>, vector<1x2176xf32>
      %get3A_109 = vector.shape_cast %get3A_108 : vector<1x2176xf32> to vector<2176xf32>
      %squeeze3A_110 = vector.shape_cast %add3A_65 : vector<1x2176xf32> to vector<2176xf32>
      %add3A_111 = arith.addf %get3A_109, %squeeze3A_110 : vector<2176xf32>
      %swap3A = arith.constant 0 : index
      %swap3A_112 = arith.constant 1921 : index
      %swap3A_113 = vector.load %arg2[%swap3A, %swap3A_112] : memref<1x4224xf32, #tpu.memory_space<vmem>>, vector<1x2176xf32>
      %swap3A_114 = vector.shape_cast %swap3A_113 : vector<1x2176xf32> to vector<2176xf32>
      %swap3A_115 = vector.shape_cast %add3A_111 : vector<2176xf32> to vector<1x2176xf32>
      tpu.vector_store %arg2[%swap3A, %swap3A_112], %swap3A_115 {strides = array<i32>} : memref<1x4224xf32, #tpu.memory_space<vmem>>, vector<1x2176xf32>,
    } else {
    }
    %eq3A_71 = arith.constant 1 : i32
    %eq3A_72 = arith.cmpi eq, %arg0, %eq3A_71 : i32
    %convert_element_type3A_73 = arith.extui %eq3A_72 : i1 to i32
    %cond3A_74 = arith.constant 0 : i32
    %cond3A_75 = arith.cmpi ne, %convert_element_type3A_73, %cond3A_74 : i32
    scf.if %cond3A_75 {
      %get3A_106 = arith.constant 0 : index
      %get3A_107 = arith.constant 1793 : index
      %get3A_108 = vector.load %arg2[%get3A_106, %get3A_107] : memref<1x4224xf32, #tpu.memory_space<vmem>>, vector<1x2176xf32>
      %get3A_109 = vector.shape_cast %get3A_108 : vector<1x2176xf32> to vector<2176xf32>
      %squeeze3A_110 = vector.shape_cast %add3A_65 : vector<1x2176xf32> to vector<2176xf32>
      %add3A_111 = arith.addf %get3A_109, %squeeze3A_110 : vector<2176xf32>
      %swap3A = arith.constant 0 : index
      %swap3A_112 = arith.constant 1793 : index
      %swap3A_113 = vector.load %arg2[%swap3A, %swap3A_112] : memref<1x4224xf32, #tpu.memory_space<vmem>>, vector<1x2176xf32>
      %swap3A_114 = vector.shape_cast %swap3A_113 : vector<1x2176xf32> to vector<2176xf32>
      %swap3A_115 = vector.shape_cast %add3A_111 : vector<2176xf32> to vector<1x2176xf32>
      tpu.vector_store %arg2[%swap3A, %swap3A_112], %swap3A_115 {strides = array<i32>} : memref<1x4224xf32, #tpu.memory_space<vmem>>, vector<1x2176xf32>,
    } else {
    }
    %eq3A_76 = arith.constant 2 : i32
    %eq3A_77 = arith.cmpi eq, %arg0, %eq3A_76 : i32
    %convert_element_type3A_78 = arith.extui %eq3A_77 : i1 to i32
    %cond3A_79 = arith.constant 0 : i32
    %cond3A_80 = arith.cmpi ne, %convert_element_type3A_78, %cond3A_79 : i32
    scf.if %cond3A_80 {
      %get3A_106 = arith.constant 0 : index
      %get3A_107 = arith.constant 1665 : index
      %get3A_108 = vector.load %arg2[%get3A_106, %get3A_107] : memref<1x4224xf32, #tpu.memory_space<vmem>>, vector<1x2176xf32>
      %get3A_109 = vector.shape_cast %get3A_108 : vector<1x2176xf32> to vector<2176xf32>
      %squeeze3A_110 = vector.shape_cast %add3A_65 : vector<1x2176xf32> to vector<2176xf32>
      %add3A_111 = arith.addf %get3A_109, %squeeze3A_110 : vector<2176xf32>
      %swap3A = arith.constant 0 : index
      %swap3A_112 = arith.constant 1665 : index
      %swap3A_113 = vector.load %arg2[%swap3A, %swap3A_112] : memref<1x4224xf32, #tpu.memory_space<vmem>>, vector<1x2176xf32>
      %swap3A_114 = vector.shape_cast %swap3A_113 : vector<1x2176xf32> to vector<2176xf32>
      %swap3A_115 = vector.shape_cast %add3A_111 : vector<2176xf32> to vector<1x2176xf32>
      tpu.vector_store %arg2[%swap3A, %swap3A_112], %swap3A_115 {strides = array<i32>} : memref<1x4224xf32, #tpu.memory_space<vmem>>, vector<1x2176xf32>,
    } else {
    }
    %eq3A_81 = arith.constant 3 : i32
    %eq3A_82 = arith.cmpi eq, %arg0, %eq3A_81 : i32
    %convert_element_type3A_83 = arith.extui %eq3A_82 : i1 to i32
    %cond3A_84 = arith.constant 0 : i32
    %cond3A_85 = arith.cmpi ne, %convert_element_type3A_83, %cond3A_84 : i32
    scf.if %cond3A_85 {
      %get3A_106 = arith.constant 0 : index
      %get3A_107 = arith.constant 1537 : index
      %get3A_108 = vector.load %arg2[%get3A_106, %get3A_107] : memref<1x4224xf32, #tpu.memory_space<vmem>>, vector<1x2176xf32>
      %get3A_109 = vector.shape_cast %get3A_108 : vector<1x2176xf32> to vector<2176xf32>
      %squeeze3A_110 = vector.shape_cast %add3A_65 : vector<1x2176xf32> to vector<2176xf32>
      %add3A_111 = arith.addf %get3A_109, %squeeze3A_110 : vector<2176xf32>
      %swap3A = arith.constant 0 : index
      %swap3A_112 = arith.constant 1537 : index
      %swap3A_113 = vector.load %arg2[%swap3A, %swap3A_112] : memref<1x4224xf32, #tpu.memory_space<vmem>>, vector<1x2176xf32>
      %swap3A_114 = vector.shape_cast %swap3A_113 : vector<1x2176xf32> to vector<2176xf32>
      %swap3A_115 = vector.shape_cast %add3A_111 : vector<2176xf32> to vector<1x2176xf32>
      tpu.vector_store %arg2[%swap3A, %swap3A_112], %swap3A_115 {strides = array<i32>} : memref<1x4224xf32, #tpu.memory_space<vmem>>, vector<1x2176xf32>,
    } else {
    }
    %eq3A_86 = arith.constant 4 : i32
    %eq3A_87 = arith.cmpi eq, %arg0, %eq3A_86 : i32
    %convert_element_type3A_88 = arith.extui %eq3A_87 : i1 to i32
    %cond3A_89 = arith.constant 0 : i32
    %cond3A_90 = arith.cmpi ne, %convert_element_type3A_88, %cond3A_89 : i32
    scf.if %cond3A_90 {
      %get3A_106 = arith.constant 0 : index
      %get3A_107 = arith.constant 1409 : index
      %get3A_108 = vector.load %arg2[%get3A_106, %get3A_107] : memref<1x4224xf32, #tpu.memory_space<vmem>>, vector<1x2176xf32>
      %get3A_109 = vector.shape_cast %get3A_108 : vector<1x2176xf32> to vector<2176xf32>
      %squeeze3A_110 = vector.shape_cast %add3A_65 : vector<1x2176xf32> to vector<2176xf32>
      %add3A_111 = arith.addf %get3A_109, %squeeze3A_110 : vector<2176xf32>
      %swap3A = arith.constant 0 : index
      %swap3A_112 = arith.constant 1409 : index
      %swap3A_113 = vector.load %arg2[%swap3A, %swap3A_112] : memref<1x4224xf32, #tpu.memory_space<vmem>>, vector<1x2176xf32>
      %swap3A_114 = vector.shape_cast %swap3A_113 : vector<1x2176xf32> to vector<2176xf32>
      %swap3A_115 = vector.shape_cast %add3A_111 : vector<2176xf32> to vector<1x2176xf32>
      tpu.vector_store %arg2[%swap3A, %swap3A_112], %swap3A_115 {strides = array<i32>} : memref<1x4224xf32, #tpu.memory_space<vmem>>, vector<1x2176xf32>,
    } else {
    }
    %eq3A_91 = arith.constant 5 : i32
    %eq3A_92 = arith.cmpi eq, %arg0, %eq3A_91 : i32
    %convert_element_type3A_93 = arith.extui %eq3A_92 : i1 to i32
    %cond3A_94 = arith.constant 0 : i32
    %cond3A_95 = arith.cmpi ne, %convert_element_type3A_93, %cond3A_94 : i32
    scf.if %cond3A_95 {
      %get3A_106 = arith.constant 0 : index
      %get3A_107 = arith.constant 1281 : index
      %get3A_108 = vector.load %arg2[%get3A_106, %get3A_107] : memref<1x4224xf32, #tpu.memory_space<vmem>>, vector<1x2176xf32>
      %get3A_109 = vector.shape_cast %get3A_108 : vector<1x2176xf32> to vector<2176xf32>
      %squeeze3A_110 = vector.shape_cast %add3A_65 : vector<1x2176xf32> to vector<2176xf32>
      %add3A_111 = arith.addf %get3A_109, %squeeze3A_110 : vector<2176xf32>
      %swap3A = arith.constant 0 : index
      %swap3A_112 = arith.constant 1281 : index
      %swap3A_113 = vector.load %arg2[%swap3A, %swap3A_112] : memref<1x4224xf32, #tpu.memory_space<vmem>>, vector<1x2176xf32>
      %swap3A_114 = vector.shape_cast %swap3A_113 : vector<1x2176xf32> to vector<2176xf32>
      %swap3A_115 = vector.shape_cast %add3A_111 : vector<2176xf32> to vector<1x2176xf32>
      tpu.vector_store %arg2[%swap3A, %swap3A_112], %swap3A_115 {strides = array<i32>} : memref<1x4224xf32, #tpu.memory_space<vmem>>, vector<1x2176xf32>,
    } else {
    }
    %eq3A_96 = arith.constant 6 : i32
    %eq3A_97 = arith.cmpi eq, %arg0, %eq3A_96 : i32
    %convert_element_type3A_98 = arith.extui %eq3A_97 : i1 to i32
    %cond3A_99 = arith.constant 0 : i32
    %cond3A_100 = arith.cmpi ne, %convert_element_type3A_98, %cond3A_99 : i32
    scf.if %cond3A_100 {
      %get3A_106 = arith.constant 0 : index
      %get3A_107 = arith.constant 1153 : index
      %get3A_108 = vector.load %arg2[%get3A_106, %get3A_107] : memref<1x4224xf32, #tpu.memory_space<vmem>>, vector<1x2176xf32>
      %get3A_109 = vector.shape_cast %get3A_108 : vector<1x2176xf32> to vector<2176xf32>
      %squeeze3A_110 = vector.shape_cast %add3A_65 : vector<1x2176xf32> to vector<2176xf32>
      %add3A_111 = arith.addf %get3A_109, %squeeze3A_110 : vector<2176xf32>
      %swap3A = arith.constant 0 : index
      %swap3A_112 = arith.constant 1153 : index
      %swap3A_113 = vector.load %arg2[%swap3A, %swap3A_112] : memref<1x4224xf32, #tpu.memory_space<vmem>>, vector<1x2176xf32>
      %swap3A_114 = vector.shape_cast %swap3A_113 : vector<1x2176xf32> to vector<2176xf32>
      %swap3A_115 = vector.shape_cast %add3A_111 : vector<2176xf32> to vector<1x2176xf32>
      tpu.vector_store %arg2[%swap3A, %swap3A_112], %swap3A_115 {strides = array<i32>} : memref<1x4224xf32, #tpu.memory_space<vmem>>, vector<1x2176xf32>,
    } else {
    }
    %eq3A_101 = arith.constant 7 : i32
    %eq3A_102 = arith.cmpi eq, %arg0, %eq3A_101 : i32
    %convert_element_type3A_103 = arith.extui %eq3A_102 : i1 to i32
    %cond3A_104 = arith.constant 0 : i32
    %cond3A_105 = arith.cmpi ne, %convert_element_type3A_103, %cond3A_104 : i32
    scf.if %cond3A_105 {
      %get3A_106 = arith.constant 0 : index
      %get3A_107 = arith.constant 1025 : index
      %get3A_108 = vector.load %arg2[%get3A_106, %get3A_107] : memref<1x4224xf32, #tpu.memory_space<vmem>>, vector<1x2176xf32>
      %get3A_109 = vector.shape_cast %get3A_108 : vector<1x2176xf32> to vector<2176xf32>
      %squeeze3A_110 = vector.shape_cast %add3A_65 : vector<1x2176xf32> to vector<2176xf32>
      %add3A_111 = arith.addf %get3A_109, %squeeze3A_110 : vector<2176xf32>
      %swap3A = arith.constant 0 : index
      %swap3A_112 = arith.constant 1025 : index
      %swap3A_113 = vector.load %arg2[%swap3A, %swap3A_112] : memref<1x4224xf32, #tpu.memory_space<vmem>>, vector<1x2176xf32>
      %swap3A_114 = vector.shape_cast %swap3A_113 : vector<1x2176xf32> to vector<2176xf32>
      %swap3A_115 = vector.shape_cast %add3A_111 : vector<2176xf32> to vector<1x2176xf32>
      tpu.vector_store %arg2[%swap3A, %swap3A_112], %swap3A_115 {strides = array<i32>} : memref<1x4224xf32, #tpu.memory_space<vmem>>, vector<1x2176xf32>,
    } else {
    }
    return
  }
  func.func @transform_0(%arg0: i32) -> (i32, i32) {
    %c0_i32 = arith.constant 0 : i32
    %c0_i32_0 = arith.constant 0 : i32
    return %arg0, %c0_i32 : i32, i32
  }
  func.func @transform_1(%arg0: i32) -> (i32, i32) {
    %c0_i32 = arith.constant 0 : i32
    %c0_i32_0 = arith.constant 0 : i32
    %c0_i32_1 = arith.constant 0 : i32
    return %c0_i32, %c0_i32_0 : i32, i32
  }
}

module attributes {stable_mosaic.version = 14 : i64} {
  func.func @_combine_body(%arg0: memref<32x4096xf32, #tpu.memory_space<vmem>>, %arg1: memref<1x4224xf32, #tpu.memory_space<vmem>>, %arg2: memref<1x4096xf32, #tpu.memory_space<vmem>>) attributes {dimension_semantics = [], scalar_prefetch = 0 : i64, scratch_operands = 0 : i64, tpu.core_type = #tpu.core_type<tc>} {
    %get3A = arith.constant 0 : index
    %get3A_0 = arith.constant 0 : index
    %get3A_1 = vector.load %arg0[%get3A, %get3A_0] : memref<32x4096xf32, #tpu.memory_space<vmem>>, vector<32x4096xf32>
    %reduce_sum3A = arith.constant dense<0.000000e+00> : vector<4096xf32>
    %reduce_sum3A_2 = vector.multi_reduction <add>, %get3A_1, %reduce_sum3A [0] : vector<32x4096xf32> to vector<4096xf32>
    %broadcast_in_dim3A = vector.shape_cast %reduce_sum3A_2 : vector<4096xf32> to vector<1x4096xf32>
    %get3A_3 = arith.constant 0 : index
    %get3A_4 = arith.constant 0 : index
    %get3A_5 = vector.load %arg1[%get3A_3, %get3A_4] : memref<1x4224xf32, #tpu.memory_space<vmem>>, vector<1x4096xf32>
    %add3A = arith.addf %broadcast_in_dim3A, %get3A_5 : vector<1x4096xf32>
    %iota3A = tpu.iota {dimensions = array<i32: 1>} : vector<1x4096xi32>
    %lt3A = arith.constant 2048 : i32
    %lt3A_6 = vector.broadcast %lt3A : i32 to vector<1x4096xi32>
    %lt3A_7 = arith.cmpi slt, %iota3A, %lt3A_6 : vector<1x4096xi32>
    %mul3A = arith.constant 2 : i32
    %mul3A_8 = vector.broadcast %mul3A : i32 to vector<1x4096xi32>
    %mul3A_9 = arith.muli %mul3A_8, %iota3A : vector<1x4096xi32>
    %sub3A = arith.constant 2048 : i32
    %sub3A_10 = vector.broadcast %sub3A : i32 to vector<1x4096xi32>
    %sub3A_11 = arith.subi %mul3A_9, %sub3A_10 : vector<1x4096xi32>
    %sub3A_12 = arith.constant 1 : i32
    %sub3A_13 = vector.broadcast %sub3A_12 : i32 to vector<1x4096xi32>
    %sub3A_14 = arith.subi %sub3A_11, %sub3A_13 : vector<1x4096xi32>
    %sub3A_15 = arith.constant 4095 : i32
    %sub3A_16 = vector.broadcast %sub3A_15 : i32 to vector<1x4096xi32>
    %sub3A_17 = arith.subi %sub3A_16, %iota3A : vector<1x4096xi32>
    %select_n3A = arith.select %lt3A_7, %sub3A_14, %sub3A_17 : vector<1x4096xi1>, vector<1x4096xi32>
    %max3A = arith.constant 0 : i32
    %max3A_18 = vector.broadcast %max3A : i32 to vector<1x4096xi32>
    %max3A_19 = arith.maxsi %select_n3A, %max3A_18 : vector<1x4096xi32>
    %convert_element_type3A = arith.sitofp %max3A_19 : vector<1x4096xi32> to vector<1x4096xf32>
    %div3A = arith.divf %add3A, %convert_element_type3A : vector<1x4096xf32>
    %swap3A = arith.constant 0 : index
    %swap3A_20 = arith.constant 0 : index
    %swap3A_21 = vector.load %arg2[%swap3A, %swap3A_20] : memref<1x4096xf32, #tpu.memory_space<vmem>>, vector<1x4096xf32>
    tpu.vector_store %arg2[%swap3A, %swap3A_20], %div3A {strides = array<i32>} : memref<1x4096xf32, #tpu.memory_space<vmem>>, vector<1x4096xf32>,
    return
  }
}

</mosaic_0001>

<sc_bundles>
// kernel: kernel.5.cloned.1.call-start
scs
__scs_entry_jumppad:
0x0: {  	(pc) =	sbr.rel $0x88, $3  }
0x1: {  	(tag) =	ssettag $0x0;
	lr =	simm.s32 $0x1  }
0x2: {  	[smem:$0x3FA0] =	sst lr;
	_ =	strace $0xD0000000  }
0x3: {  	_ = 	snop  }
0x4: {  	_ = 	snop  }
0x5: {  	_ = 	snop  }
0x6: {  	_ = 	snop  }
0x7: {  	_ = 	snop  }
__scs_overlays_trampoline_lowered:
0x8: {  	[smem:$0x3FAF] =	sst s0  }
0x9: {  	[smem:$0x3FB0] =	sst s1  }
0xa: {  	[smem:$0x3FB1] =	sst s2  }
0xb: {  	[smem:$0x3FB2] =	sst s3  }
0xc: {  	[smem:$0x3FB3] =	sst s4  }
0xd: {  	[smem:$0x3FB4] =	sst s5  }
0xe: {  	[smem:$0x3FB5] =	sst s6  }
0xf: {  	[smem:$0x3FB6] =	sst s7  }
0x10: {  	[smem:$0x3FB7] =	sst s8  }
0x11: {  	[smem:$0x3FB8] =	sst s9;
	s0 =	simm.s32 @!p0 $0x0  }
0x12: {  	s1 =	sld [smem:$0x3F9E];
	s0 =	simm.s32 @p0 $0x1  }
0x13: {  	[smem:$0x3FB9] =	sst s0;
	s0 =	simm.s32 @!p1 $0x0  }
0x14: {  	s2 =	sld [smem:$0x3F9D];
	s0 =	simm.s32 @p1 $0x1  }
0x15: {  	[smem:$0x3FBA] =	sst s0;
	s0 =	simm.s32 @!p2 $0x0  }
0x16: {  	s3 =	sld [smem:$0x3FDB];
	s0 =	simm.s32 @p2 $0x1  }
0x17: {  	s4 =	simm.s32 $0x1BF5;
	[smem:$0x3FBC] =	sst s0  }
0x18: {  	s0 =	sld [smem:$0x3F9F];
	_ =	swait.ge [sflag:s4], $0x0  }
0x19: {  	s7 =	sld [smem:$0x3FA0]  }
0x1a: {  	s8 =	sadd.s32 $0xFFFFE003, lr  }
0x1b: {  	s9 =	sadd.s32 $0xFFFFFEF7, lr;
	s5 =	simm.s32 $0xFFFFFFFF;
	p2 =	slt.u32 s8, $0xFFFFF086  }
0x1c: {  	p1 =	slt.u32 s9, $0xF7A;
	s5 =	simm.s32 @!p2 $0x0  }
0x1d: {  	s5 =	simm.s32 @p1 $0x1;
	p0 =	seq.s32 s7, s2  }
0x1e: {  	s7 =	smul.u32 @!p0 $0xF7A, s2;
	p2 =	seq.s32 @!p0 s5, $0x0  }
0x1f: {  	s9 =	smul.u32 $0xF7A, s1;
	s8 =	simm.s32 @!p0 $0x1BF5;
	p2 =	por !p2, p0  }
0x20: {  	[sflag:s8] =	ssyncset.s32 @!p0 $0xFFFFF086;
	s6 =	sadd.s32 @!p0 s3, s7;
	s7 =	simm.s32 @!p0 $0x108  }
0x21: {  	s3 =	sadd.s32 s3, s9;
	s6 =	sadd.s32 @!p0 $0x88, s6;
	s7 =	simm.s32 @p2 $0x1082  }
0x22: {  	[simem:s7], [sflag:s8] =	dma.local @!p0 [hbm:s6], $0xF7A  }
0x23: {  	s9 =	sor.u32 $0xD0000000, s2;
	s6 =	simm.s32 $0x108;
	_ =	swait.ge @!p0 [sflag:s8], $0x0  }
0x24: {  	s3 =	sadd.s32 $0x88, s3;
	s6 =	simm.s32 @!p1 $0x1082;
	[sflag:s4] =	ssyncset.s32 $0xFFFFF086  }
0x25: {  	[simem:s6], [sflag:s4] =	dma.local [hbm:s3], $0xF7A  }
0x26: {  	[smem:$0x3FA0] =	sst s1;
	(tag) =	ssettag s2;
	_ =	strace s9  }
0x27: {  	s1 =	sld [smem:$0x3FB0]  }
0x28: {  	s2 =	sld [smem:$0x3FB1]  }
0x29: {  	s4 =	sld [smem:$0x3FB3]  }
0x2a: {  	p0 =	seq.s32 s5, $0x0;
	s5 =	sld [smem:$0x3FB4]  }
0x2b: {  	s6 =	sld [smem:$0x3FB5]  }
0x2c: {  	s7 =	sld [smem:$0x3FB6]  }
0x2d: {  	s3 =	simm.s32 $0x108;
	s8 =	sld [smem:$0x3FB7]  }
0x2e: {  	s3 =	simm.s32 @!p0 $0x1082;
	s9 =	sld [smem:$0x3FB8]  }
0x2f: {  	lr =	sadd.s32 s0, s3;
	s0 =	sld [smem:$0x3FAF]  }
0x30: {  	s3 =	sld [smem:$0x3FB2]  }
0x31: {  	[smem:$0x3FBB] =	sst s10  }
0x32: {  	s10 =	sld [smem:$0x3FB9];
	_ =	sdelay $0x3  }
0x33: {  	p0 =	seq.s32 s10, $0x1;
	s10 =	sld [smem:$0x3FBB];
	_ =	sdelay $0x3  }
0x34: {  	[smem:$0x3FBB] =	sst s10  }
0x35: {  	s10 =	sld [smem:$0x3FBA];
	_ =	sdelay $0x3  }
0x36: {  	p1 =	seq.s32 s10, $0x1;
	s10 =	sld [smem:$0x3FBB];
	_ =	sdelay $0x3  }
0x37: {  	[smem:$0x3FBB] =	sst s10  }
0x38: {  	s10 =	sld [smem:$0x3FBC]  }
0x39: {  	_ = 	snop;
	(pc) =	sbr.ind lr, $3  }
0x3a: {  	_ = 	snop  }
0x3b: {  	_ = 	snop  }
0x3c: {  	p2 =	seq.s32 s10, $0x1;
	s10 =	sld [smem:$0x3FBB]  }
0x3d: {  	_ =	shalt  }
0x3e: {  	_ =	shalt  }
0x3f: {  	_ =	shalt  }
0x40: {  	_ =	shalt  }
0x41: {  	_ =	shalt  }
0x42: {  	_ =	shalt  }
0x43: {  	_ =	shalt  }
0x44: {  	_ =	shalt  }
0x45: {  	_ =	shalt  }
0x46: {  	_ =	shalt  }
0x47: {  	_ =	shalt  }
0x48: {  	_ =	shalt  }
0x49: {  	_ =	shalt  }
0x4a: {  	_ =	shalt  }
0x4b: {  	_ =	shalt  }
0x4c: {  	_ =	shalt  }
0x4d: {  	_ =	shalt  }
0x4e: {  	_ =	shalt  }
0x4f: {  	_ =	shalt  }
0x50: {  	_ =	shalt  }
0x51: {  	_ =	shalt  }
0x52: {  	_ =	shalt  }
0x53: {  	_ =	shalt  }
0x54: {  	_ =	shalt  }
0x55: {  	_ =	shalt  }
0x56: {  	_ =	shalt  }
0x57: {  	_ =	shalt  }
0x58: {  	_ =	shalt  }
0x59: {  	_ =	shalt  }
0x5a: {  	_ =	shalt  }
0x5b: {  	_ =	shalt  }
0x5c: {  	_ =	shalt  }
0x5d: {  	_ =	shalt  }
0x5e: {  	_ =	shalt  }
0x5f: {  	_ =	shalt  }
0x60: {  	_ =	shalt  }
0x61: {  	_ =	shalt  }
0x62: {  	_ =	shalt  }
0x63: {  	_ =	shalt  }
0x64: {  	_ =	shalt  }
0x65: {  	_ =	shalt  }
0x66: {  	_ =	shalt  }
0x67: {  	_ =	shalt  }
0x68: {  	_ =	shalt  }
0x69: {  	_ =	shalt  }
0x6a: {  	_ =	shalt  }
0x6b: {  	_ =	shalt  }
0x6c: {  	_ =	shalt  }
0x6d: {  	_ =	shalt  }
0x6e: {  	_ =	shalt  }
0x6f: {  	_ =	shalt  }
0x70: {  	_ =	shalt  }
0x71: {  	_ =	shalt  }
0x72: {  	_ =	shalt  }
0x73: {  	_ =	shalt  }
0x74: {  	_ =	shalt  }
0x75: {  	_ =	shalt  }
0x76: {  	_ =	shalt  }
0x77: {  	_ =	shalt  }
0x78: {  	_ =	shalt  }
0x79: {  	_ =	shalt  }
0x7a: {  	_ =	shalt  }
0x7b: {  	_ =	shalt  }
0x7c: {  	_ =	shalt  }
0x7d: {  	_ =	shalt  }
0x7e: {  	_ =	shalt  }
0x7f: {  	_ =	shalt  }
0x80: {  	_ =	shalt  }
0x81: {  	_ =	shalt  }
0x82: {  	_ =	shalt  }
0x83: {  	_ =	shalt  }
0x84: {  	_ =	shalt  }
0x85: {  	_ =	shalt  }
0x86: {  	_ =	shalt  }
0x87: {  	_ =	shalt  }
.Lfunc_end0:
.L_simem_size_0:
called_computation_lowered:
.L_overlay_start_0:
0x88: {  	s2 =	sld [smem:$0x3FD9]  }
0x89: {  	s3 =	sld [smem:$0x3FFE];
	_ =	sdelay $0x1  }
0x8a: {  	s1 =	srdreg.scid  }
0x8b: {  	s0 =	sand.u32 $0x1, s1  }
0x8c: {  	s17 =	sshll.u32 s0, $0xA;
	s2 =	sadd.s32 s3, s2  }
0x8d: {  	s2 =	sadd.s32 s2, s17  }
0x8e: {  	[smem:$0x3FC7] =	sst s2  }
0x8f: {  	_ = 	snop  }
0x90: {  	s2 =	sld [smem:$0x3FC9];
	(tm) =	ssettm $0x1  }
0x91: {  	s18 =	sld [smem:$0x3FFB];
	_ =	sdelay $0x3  }
0x92: {  	_ =	strace s18  }
0x93: {  	s3 =	sld [smem:$0x3FFC];
	_ =	sdelay $0x3  }
0x94: {  	_ =	strace s3  }
0x95: {  	s3 =	sld [smem:$0x3FFD];
	_ =	sdelay $0x3  }
0x96: {  	_ =	strace s3  }
0x97: {  	_ =	strace $0x8FFFFFFF  }
0x98: {  	s19 =	sld [smem:$0x3FDB];
	_ =	sdelay $0x1  }
0x99: {  	s4 =	simm.s32 $_scs_section_size  }
0x9a: {  	s5 =	simm.s32 $_size__tile_overlayer_lowered;
	s6 =	simm.s32 $_tile_overlayer_lowered  }
0x9b: {  	s22 =	simm.s32 $0x1BFF;
	s21 =	sshll.u32 s6, $0x1;
	s3 =	sadd.s32 s4, s19  }
0x9c: {  	s7 =	simm.s32 $0x0;
	s20 =	sshll.u32 s5, $0x1;
	s5 =	sadd.s32 s21, s3  }
0x9d: {  	[timem:s7], [sflag:s22] =	dma.local [hbm:s5], s20  }
0x9e: {  	_ =	swait.ge [sflag:s22], s20  }
0x9f: {  	s4 =	ssub.s32 $0x0, s20;
	[sflag:s22] =	ssyncset.done $0x0  }
0xa0: {  	[sflag:s22] =	ssyncadd.s32 s4;
	_ =	sdelay $0x1  }
0xa1: {  	s23 =	simm.s32 $0x1B8B  }
0xa2: {  	_ =	swait.ge [sflag:s23], $0x1  }
0xa3: {  	[sflag:s23] =	ssyncset.done $0x0  }
0xa4: {  	s25 =	simm.s32 $0x1B8E;
	s24 =	sld [smem:$0x3FFE];
	[sflag:s23] =	ssyncadd.s32 $0xFFFFFFFF  }
0xa5: {  	s26 =	simm.s32 $execute0_lowered;
	[smem:$0x3FD2] =	sst s25  }
0xa6: {  	s5 =	sshll.u32 s26, $0x1;
	_ =	strace $0x80000046;
	[dreg:$0x1] =	wrdreg $0xFFFFFFFF  }
0xa7: {  	s28 =	simm.s32 $_size_execute0_lowered;
	s3 =	sadd.s32 s3, s5;
	[dreg:$0x0] =	wrdreg $0x0  }
0xa8: {  	s5 =	sshll.u32 s28, $0x1;
	[dreg:$0x2] =	wrdreg s3  }
0xa9: {  	[dreg:$0x3] =	wrdreg s5  }
0xaa: {  	[dreg:$0x4] =	wrdreg $0xC0  }
0xab: {  	_ =	task [dreg:s7], $0x5FFFF  }
0xac: {  	[dreg:$0x1] =	wrdreg $0xFFFFFFFF  }
0xad: {  	[dreg:$0x0] =	wrdreg $0x60  }
0xae: {  	[dreg:$0x2] =	wrdreg s2  }
0xaf: {  	[dreg:$0x3] =	wrdreg s24  }
0xb0: {  	[dreg:$0x4] =	wrdreg $0x9  }
0xb1: {  	_ =	task.clear_ibuf [dreg:s7], $0x5FFFF;
	_ =	strace $0x90000046  }
0xb2: {  	s29 =	simm.s32 $0x9;
	_ =	strace $0x80000048  }
0xb3: {  	_ =	swait.ge [sflag:s29], $0x1  }
0xb4: {  	[sflag:s29] =	ssyncadd.s32 $0xFFFFFFFF  }
0xb5: {  	_ =	strace $0x90000048  }
0xb6: {  	_ =	sfence  }
0xb7: {  	s30 =	sld [smem:$0x0];
	_ =	sdelay $0x2  }
0xb8: {  	s31 =	sshll.u32 s1, $0xD;
	s1 =	sshrl.u32 s1, $0x2  }
0xb9: {  	s3 =	sand.u32 $0x4000, s31;
	s1 =	sadd.s32 s1, s30  }
0xba: {  	s0 =	sor.u32 s3, s0;
	s1 =	sshll.u32 s1, $0x11  }
0xbb: {  	s0 =	sor.u32 s1, s0  }
0xbc: {  	s0 =	sadd.s32 $0x8F2B, s0  }
0xbd: {  	[sflag:s0] =	ssyncadd.remote.s32 $0x1  }
0xbe: {  	_ =	sfence.sel $0xFFFF  }
0xbf: {  	[dreg:$0x0] =	wrdreg $0xFFFFFFFF;
	(pc) =	sbr.abs _section_cstart, $3  }
0xc0: {  	[dreg:$0x1] =	wrdreg $0xFFFFFFFF  }
0xc1: {  	_ =	task.clear_ibuf [dreg:s7], $0x2FFFF;
	_ =	strace $0x9FFFFFFF  }
0xc2: {  	(tm) =	ssettm $0x7FFFFFFF  }
0xc3: {  	_ =	shalt  }
tec
execute0_lowered:
.L_overlay_start_1:
0x0: {  	(tag) =	ssettag $0x1  }
0x1: {  	s0 =	rddreg [dreg:$0x0]  }
0x2: {  	s1 =	rddreg [dreg:$0x1];
	s2 =	simm.s32 $0x0;
	s3 =	srdreg.scid  }
0x3: {  	s10 =	stileid.u32;
	s14 =	simm.s32 $0x1;
	s15 =	simm.s32 $0x10000  }
0x4: {  	s16 =	simm.s32 $0x2;
	s19 =	simm.s32 $0x3;
	[smem:$0x7FF] =	sst s2  }
0x5: {  	s5 =	sand.u32 $0x1, s3;
	s21 =	sshll.u32 s10, $0x4;
	s25 =	sshll.u32 s10, $0x6  }
0x6: {  	s30 =	sshll.u32 s10, $0x5;
	_ =	strace $0x80000047;
	s4 =	sshll.u32 s5, $0x4  }
0x7: {  	s3 =	sand.u32 $0x70, s21;
	s6 =	ssub.s32 $0x2, s5;
	s26 =	sshll.u32 s5, $0xA  }
0x8: {  	s29 =	sshll.u32 s5, $0x9;
	s7 =	sor.u32 s10, s4;
	s1 =	sadd.s32 s3, s1  }
0x9: {  	s22 =	sshrl.u32 s6, $0x1;
	s28 =	sor.u32 s25, s26;
	s4 =	sshll.u32 s7, $0x4  }
0xa: {  	s8 =	ssub.s32 s6, s22;
	s7 =	sshll.u32 s7, $0x9;
	s3 =	sor.u32 $0x400, s4  }
0xb: {  	s4 =	sxor.u32 $0x7F0, s4;
	s24 =	sand.u32 $0x3000, s7;
	s23 =	sshll.u32 s3, $0x8  }
0xc: {  	s8 =	smax.u32 s8, $0x1;
	s9 =	sshll.u32 s4, $0x8;
	s6 =	sadd.s32 s0, s23  }
.Ltmp0:
0xd: {  	s0 =	sadd.s32 s0, s9;
	[dreg:$0x3] =	wrdreg s6;
	(pc) =	sbr.rel .LBB2_1-.Ltmp0, $4  }
0xe: {  	v0 =	vlaneseq.u32;
	s9 =	ssub.s32 $0x1200, s28;
	[dreg:$0x4] =	wrdreg s0;
	s0 =	sadd.s32 s24, s1  }
0xf: {  	v2 =	vmul.u32 $0xFFFFFFFF, v0;
	s1 =	sor.u32 s29, s30;
	s7 =	sadd.s32 $0x800, s0;
	s0 =	sadd.s32 $0x240, s28  }
0x10: {  	s31 =	sshrl.u32 s9, $0x2;
	s9 =	sor.u32 $0x2, s1;
	s0 =	sshrl.u32 s0, $0x2  }
0x11: {  	v1 =	vimm.f32 $0.0e+00;
	v3 =	vor.u32 $0x7F0, v0;
	v2 =	vadd.s32 $0x7FF, v2;
	s10 =	sor.u32 $0x10000, s31;
	s11 =	sxor.u32 $0x7E2, s1;
	s12 =	sor.u32 $0x10000, s0  }
.LBB2_19:
0x12: {  	s2 =	sadd.s32 $0x1, s2  }
0x13: {  	p0 =	sne.s32 s2, s8  }
.Ltmp1:
0x14: {  	s0 =	simm.s32 $0x80;
	s1 =	simm.s32 $0x400;
	(pc) =	sbr.rel @!p0 .LBB2_20-.Ltmp1, $4  }
0x15: {  	[hbm4b:s7+s0] =	stream.strided.scatter [tilespmem:s15], [sflag:$0x3], $0x1000, s1, s0, $0x38;
	[tilespmem:$0x11000] =	vst v63  }
0x16: {  	_ =	swait.ge [sflag:s19], $0x1000  }
0x17: {  	[sflag:s19] =	ssyncset.done $0x0  }
0x18: {  	[sflag:s19] =	ssyncadd.s32 $0xFFFFF000  }
.LBB2_1:
0x19: {  	s0 =	simm.s32 $0x10020  }
0x1a: {  	[tilespmem:s0+$0xFFFFFFE0] =	vst v1  }
0x1b: {  	[tilespmem:s0+$0x10] =	vst v1  }
0x1c: {  	s1 =	simm.s32 $0x0;
	[tilespmem:s0+$0x0] =	vst v1  }
.LBB2_2:
0x1d: {  	s1 =	sadd.s32 $0x4, s1  }
0x1e: {  	[tilespmem:s0+$0xFFFFFFF0] =	vst v1;
	s0 =	sadd.s32 $0x40, s0;
	p0 =	slt.u32 s1, $0xFC  }
.Ltmp2:
0x1f: {  	[tilespmem:s0+$0xFFFFFFE0] =	vst v1;
	(pc) =	sbr.rel @p0 .LBB2_2-.Ltmp2, $3  }
0x20: {  	_ =	sdelay $0x1  }
0x21: {  	[tilespmem:s0+$0x10] =	vst v1  }
0x22: {  	[tilespmem:s0+$0x0] =	vst v1  }
0x23: {  	[tilespmem:s0+$0xFFFFFFF0] =	vst v1  }
0x24: {  	s20 =	simm.s32 $0x0;
	s0 =	rddreg [dreg:$0x3]  }
0x25: {  	[tilespmem:s20], [sflag:$0x1] =	stream.linear.gather [hbm4b:s0+s20], $0x8000, $0x38;
	[tilespmem:$0x11000] =	vst v63  }
0x26: {  	s1 =	simm.s32 $0x8000;
	s31 =	rddreg [dreg:$0x4]  }
0x27: {  	[tilespmem:s1], [sflag:$0x2] =	stream.linear.gather [hbm4b:s31+s20], $0x8000, $0x38;
	[tilespmem:$0x11000] =	vst v63  }
0x28: {  	_ =	swait.ge [sflag:s14], $0x8000  }
0x29: {  	s21 =	simm.s32 $0x0;
	s22 =	smov.u32 s10;
	[sflag:s14] =	ssyncset.done $0x0  }
0x2a: {  	s23 =	smov.u32 s9;
	s24 =	simm.s32 $0x0;
	[sflag:s14] =	ssyncadd.s32 $0xFFFF8000  }
.LBB2_4:
0x2b: {  	s25 =	sor.u32 s3, s24  }
0x2c: {  	s0 =	sshll.u32 s25, $0x1  }
0x2d: {  	s1 =	sadd.s32 $0xFFFFF802, s0  }
0x2e: {  	s0 =	sshrl.u32 s1, $0x7  }
0x2f: {  	s26 =	sshll.u32 s24, $0xB;
	s17 =	sshll.u32 s24, $0x7;
	s0 =	smin.u32 s0, $0xF  }
0x30: {  	s13 =	sand.u32 $0x4000, s26;
	s5 =	sshll.u32 s0, $0x7;
	s0 =	sshll.u32 s0, $0xA  }
0x31: {  	s28 =	sand.u32 $0x380, s17;
	v4 =	vor.u32 s5, v0;
	s13 =	sor.u32 s0, s13  }
0x32: {  	s0 =	ssub.s32 $0x800, s25;
	s13 =	sor.u32 s28, s13;
	vm0 =	vge.u32 v4, s1  }
0x33: {  	v4 =	vadd.s32 s0, v4;
	v5 =	vld [tilespmem:s13+$0x0];
	_ =	sdelay $0x2  }
0x34: {  	s18 =	sor.u32 $0x10, s5  }
0x35: {  	v6 =	vor.u32 s18, v0  }
0x36: {  	vm9 =	vge.u32 v6, s1;
	[tilespmem:v4+s15+$0x0] =	vst.idx.add.f32.msk vm0, v5  }
0x37: {  	v5 =	vadd.s32 s0, v6;
	v4 =	vld [tilespmem:s13+$0x10];
	_ =	sdelay $0x2  }
0x38: {  	s6 =	sor.u32 $0x20, s5  }
0x39: {  	v6 =	vor.u32 s6, v0  }
0x3a: {  	vm10 =	vge.u32 v6, s1;
	[tilespmem:v5+s15+$0x0] =	vst.idx.add.f32.msk vm9, v4  }
0x3b: {  	v5 =	vadd.s32 s0, v6;
	v4 =	vld [tilespmem:s13+$0x20];
	_ =	sdelay $0x2  }
0x3c: {  	s18 =	sor.u32 $0x30, s5  }
0x3d: {  	v6 =	vor.u32 s18, v0  }
0x3e: {  	vm11 =	vge.u32 v6, s1;
	[tilespmem:v5+s15+$0x0] =	vst.idx.add.f32.msk vm10, v4  }
0x3f: {  	v5 =	vadd.s32 s0, v6;
	v4 =	vld [tilespmem:s13+$0x30];
	_ =	sdelay $0x2  }
0x40: {  	s6 =	sor.u32 $0x40, s5  }
0x41: {  	v6 =	vor.u32 s6, v0  }
0x42: {  	vm12 =	vge.u32 v6, s1;
	[tilespmem:v5+s15+$0x0] =	vst.idx.add.f32.msk vm11, v4  }
0x43: {  	v5 =	vadd.s32 s0, v6;
	v4 =	vld [tilespmem:s13+$0x40];
	_ =	sdelay $0x2  }
0x44: {  	s18 =	sor.u32 $0x50, s5  }
0x45: {  	v6 =	vor.u32 s18, v0  }
0x46: {  	vm13 =	vge.u32 v6, s1;
	[tilespmem:v5+s15+$0x0] =	vst.idx.add.f32.msk vm12, v4  }
0x47: {  	v5 =	vadd.s32 s0, v6;
	v4 =	vld [tilespmem:s13+$0x50];
	_ =	sdelay $0x2  }
0x48: {  	s6 =	sor.u32 $0x60, s5  }
0x49: {  	v6 =	vor.u32 s6, v0  }
0x4a: {  	vm14 =	vge.u32 v6, s1;
	[tilespmem:v5+s15+$0x0] =	vst.idx.add.f32.msk vm13, v4  }
0x4b: {  	v5 =	vadd.s32 s0, v6;
	v4 =	vld [tilespmem:s13+$0x60];
	_ =	sdelay $0x1  }
0x4c: {  	s5 =	sor.u32 $0x70, s5  }
0x4d: {  	v7 =	vor.u32 s5, v0;
	v6 =	vmov s5  }
0x4e: {  	vm1 =	vge.u32 v7, s1;
	vm2 =	vne.s32 v6, v2  }
0x4f: {  	vm15 =	vmand vm2, vm1;
	[tilespmem:v5+s15+$0x0] =	vst.idx.add.f32.msk vm14, v4  }
0x50: {  	s17 =	sshll.u32 s21, $0x2;
	s5 =	sshrl.u32 s23, $0x7;
	v5 =	vadd.s32 s0, v7;
	v4 =	vld [tilespmem:s13+$0x70]  }
0x51: {  	s6 =	sand.u32 $0x7, s20;
	s1 =	sand.u32 $0xFFFF0000, s17;
	s18 =	sshll.u32 s5, $0xC  }
0x52: {  	s17 =	sshll.u32 s6, $0x9;
	s1 =	sadd.s32 s18, s1  }
0x53: {  	s1 =	sor.u32 s17, s1  }
0x54: {  	s1 =	sshra.s32 s1, $0x2  }
0x55: {  	s29 =	sadd.s32 $0x470, s1;
	[tilespmem:v5+s15+$0x0] =	vst.idx.add.f32.msk vm15, v4  }
0x56: {  	v4 =	vld [tilespmem:s29+$0xFFFFFF90];
	_ =	sdelay $0x1  }
0x57: {  	s18 =	sshll.u32 s5, $0x9  }
0x58: {  	s1 =	sshrl.u32 s18, $0x2  }
0x59: {  	s30 =	sadd.s32 s1, s22  }
0x5a: {  	s5 =	sadd.s32 $0xFFFFFFFF, s5;
	[tilespmem:s30+$0x0] =	vst.add.f32.msk $0xffff, v4  }
0x5b: {  	s5 =	sadd.s32 $0x1, s5;
	v4 =	vld [tilespmem:s29+$0xFFFFFFA0]  }
0x5c: {  	p1 =	slt.u32 s5, $0xD  }
.Ltmp3:
0x5d: {  	_ = 	snop;
	(pc) =	sbr.rel @!p1 .LBB2_5-.Ltmp3, $3  }
0x5e: {  	_ =	sdelay $0x1  }
0x5f: {  	[tilespmem:s30+$0x10] =	vst.add.f32.msk $0xffff, v4  }
0x60: {  	p0 =	por $0x0, $0x0;
	s31 =	sadd.s32 $0x400, s29;
	v4 =	vmov s0;
	v5 =	vld [tilespmem:s29+$0xFFFFFFB0]  }
0x61: {  	_ =	sdelay $0x2  }
0x62: {  	v6 =	vld [tilespmem:s31+$0xFFFFFF90]  }
0x63: {  	[tilespmem:s30+$0x20] =	vst.add.f32.msk $0xffff, v5  }
0x64: {  	v5 =	vld [tilespmem:s29+$0xFFFFFFC0]  }
0x65: {  	s13 =	sadd.s32 $0x80, s22  }
0x66: {  	s0 =	sadd.s32 s1, s13  }
0x67: {  	[tilespmem:s0+$0x0] =	vst.add.f32.msk $0xffff, v6  }
0x68: {  	v6 =	vld [tilespmem:s31+$0xFFFFFFA0]  }
0x69: {  	[tilespmem:s30+$0x30] =	vst.add.f32.msk $0xffff, v5  }
0x6a: {  	v7 =	vld [tilespmem:s29+$0xFFFFFFD0]  }
0x6b: {  	s17 =	sadd.s32 $0x1, s5  }
0x6c: {  	p1 =	slt.u32 s17, $0xD  }
.Ltmp4:
0x6d: {  	[tilespmem:s0+$0x10] =	vst.add.f32.msk $0xffff, v6;
	(pc) =	sbr.rel @!p1 .LBB2_8-.Ltmp4, $4  }
0x6e: {  	v5 =	vld [tilespmem:s31+$0xFFFFFFB0]  }
0x6f: {  	[tilespmem:s30+$0x40] =	vst.add.f32.msk $0xffff, v7  }
0x70: {  	v6 =	vld [tilespmem:s29+$0xFFFFFFE0]  }
0x71: {  	s18 =	sadd.s32 $0x400, s31;
	p0 =	por $0x1, $0x1  }
.LBB2_7:
0x72: {  	v7 =	vld [tilespmem:s18+$0xFFFFFF90];
	s17 =	sadd.s32 $0x1, s17  }
0x73: {  	p1 =	slt.u32 s17, $0xD;
	[tilespmem:s0+$0x20] =	vst.add.f32.msk $0xffff, v5  }
0x74: {  	v5 =	vld [tilespmem:s31+$0xFFFFFFC0]  }
0x75: {  	s13 =	sadd.s32 $0x80, s13;
	[tilespmem:s30+$0x50] =	vst.add.f32.msk $0xffff, v6  }
0x76: {  	s5 =	sadd.s32 s1, s13;
	v6 =	vld [tilespmem:s29+$0xFFFFFFF0]  }
0x77: {  	[tilespmem:s5+$0x0] =	vst.add.f32.msk $0xffff, v7  }
0x78: {  	v7 =	vld [tilespmem:s18+$0xFFFFFFA0]  }
0x79: {  	[tilespmem:s0+$0x30] =	vst.add.f32.msk $0xffff, v5  }
0x7a: {  	v8 =	vld [tilespmem:s31+$0xFFFFFFD0]  }
0x7b: {  	[tilespmem:s30+$0x60] =	vst.add.f32.msk $0xffff, v6  }
0x7c: {  	v9 =	vld [tilespmem:s29+$0x0];
	s29 =	smov.u32 s31;
	s31 =	smov.u32 s18  }
.Ltmp5:
0x7d: {  	[tilespmem:s5+$0x10] =	vst.add.f32.msk $0xffff, v7;
	(pc) =	sbr.rel @p1 .LBB2_7-.Ltmp5, $4  }
0x7e: {  	v5 =	vld [tilespmem:s18+$0xFFFFFFB0]  }
0x7f: {  	[tilespmem:s0+$0x40] =	vst.add.f32.msk $0xffff, v8  }
0x80: {  	v6 =	vld [tilespmem:s29+$0xFFFFFFE0]  }
0x81: {  	s18 =	sadd.s32 $0x400, s18;
	[tilespmem:s30+$0x70] =	vst.add.f32.msk $0xffff, v9;
	s30 =	smov.u32 s0;
	s0 =	smov.u32 s5  }
.LBB2_8:
0x82: {  	_ = 	snop  }
0x83: {  	[tilespmem:s0+$0x20] =	vst.add.f32.msk $0xffff, v5  }
0x84: {  	v5 =	vld [tilespmem:s31+$0xFFFFFFC0];
	_ =	sdelay $0x4  }
0x85: {  	[tilespmem:s0+$0x30] =	vst.add.f32.msk $0xffff, v5  }
0x86: {  	v5 =	vld [tilespmem:s31+$0xFFFFFFD0];
	_ =	sdelay $0x4  }
0x87: {  	[tilespmem:s0+$0x40] =	vst.add.f32.msk $0xffff, v5  }
0x88: {  	v5 =	vld [tilespmem:s31+$0xFFFFFFE0];
	_ =	sdelay $0x2  }
0x89: {  	[tilespmem:s30+$0x50] =	vst.add.f32.msk @p0 $0xffff, v6  }
0x8a: {  	v6 =	vld @p0 [tilespmem:s29+$0xFFFFFFF0]  }
0x8b: {  	[tilespmem:s0+$0x50] =	vst.add.f32.msk $0xffff, v5  }
0x8c: {  	v5 =	vld [tilespmem:s31+$0xFFFFFFF0];
	_ =	sdelay $0x2  }
0x8d: {  	[tilespmem:s30+$0x60] =	vst.add.f32.msk @p0 $0xffff, v6  }
0x8e: {  	v6 =	vld @p0 [tilespmem:s29+$0x0]  }
0x8f: {  	[tilespmem:s0+$0x60] =	vst.add.f32.msk $0xffff, v5  }
0x90: {  	v5 =	vld [tilespmem:s31+$0x0];
	_ =	sdelay $0x3  }
0x91: {  	s1 =	sor.u32 s26, s28;
	[tilespmem:s30+$0x70] =	vst.add.f32.msk @p0 $0xffff, v6  }
0x92: {  	s26 =	sor.u32 $0x3C00, s1;
	[tilespmem:s0+$0x70] =	vst.add.f32.msk $0xffff, v5  }
0x93: {  	v5 =	vld [tilespmem:s26+$0x0];
	_ =	sdelay $0x3  }
0x94: {  	s28 =	ssub.s32 $0x10F80, s25  }
0x95: {  	s29 =	sor.u32 $0x3C10, s1;
	[tilespmem:s28+$0x0] =	vst.add.f32.msk $0xffff, v5  }
0x96: {  	v5 =	vld [tilespmem:s29+$0x0];
	_ =	sdelay $0x3  }
0x97: {  	s30 =	ssub.s32 $0x10F90, s25  }
0x98: {  	s31 =	sor.u32 $0x3C20, s1;
	[tilespmem:s30+$0x0] =	vst.add.f32.msk $0xffff, v5  }
0x99: {  	v5 =	vld [tilespmem:s31+$0x0];
	_ =	sdelay $0x3  }
0x9a: {  	s5 =	ssub.s32 $0x10FA0, s25  }
0x9b: {  	s6 =	sor.u32 $0x3C30, s1;
	[tilespmem:s5+$0x0] =	vst.add.f32.msk $0xffff, v5  }
0x9c: {  	v5 =	vld [tilespmem:s6+$0x0];
	_ =	sdelay $0x3  }
0x9d: {  	s13 =	ssub.s32 $0x10FB0, s25  }
0x9e: {  	s17 =	sor.u32 $0x3C40, s1;
	[tilespmem:s13+$0x0] =	vst.add.f32.msk $0xffff, v5  }
0x9f: {  	v5 =	vld [tilespmem:s17+$0x0];
	_ =	sdelay $0x3  }
0xa0: {  	s18 =	ssub.s32 $0x10FC0, s25  }
0xa1: {  	s26 =	sor.u32 $0x3C50, s1;
	[tilespmem:s18+$0x0] =	vst.add.f32.msk $0xffff, v5  }
0xa2: {  	v5 =	vld [tilespmem:s26+$0x0];
	_ =	sdelay $0x3  }
0xa3: {  	s28 =	ssub.s32 $0x10FD0, s25  }
0xa4: {  	s29 =	sor.u32 $0x3C60, s1;
	[tilespmem:s28+$0x0] =	vst.add.f32.msk $0xffff, v5  }
0xa5: {  	v5 =	vld [tilespmem:s29+$0x0];
	_ =	sdelay $0x3  }
0xa6: {  	s30 =	ssub.s32 $0x10FE0, s25  }
0xa7: {  	s24 =	sadd.s32 $0x1, s24;
	s31 =	sor.u32 $0x3C70, s1;
	[tilespmem:s30+$0x0] =	vst.add.f32.msk $0xffff, v5  }
0xa8: {  	v4 =	vadd.s32 v3, v4;
	p0 =	sne.s32 s24, $0x10;
	v5 =	vld [tilespmem:s31+$0x0]  }
.Ltmp6:
0xa9: {  	_ = 	snop;
	(pc) =	sbr.rel @p0 .LBB2_4-.Ltmp6, $4  }
.Ltmp7:
0xaa: {  	_ = 	snop;
	(pc) =	sbr.rel @!p0 .LBB2_9-.Ltmp7, $4  }
0xab: {  	_ = 	snop  }
0xac: {  	s23 =	sadd.s32 $0x2, s23  }
0xad: {  	s22 =	sadd.s32 $0xFFFFFFFF, s22;
	s21 =	sadd.s32 $0x800, s21;
	s20 =	sadd.s32 $0x1, s20;
	[tilespmem:v4+s15+$0x0] =	vst.idx.add.f32.msk $0x7fff, v5  }
0xae: {  	_ = 	snop  }
.LBB2_5:
.Ltmp8:
0xaf: {  	(pc) =	sbr.rel .LBB2_8-.Ltmp8, $2  }
0xb0: {  	_ =	sdelay $0x2  }
0xb1: {  	s0 =	smov.u32 s30;
	s31 =	smov.u32 s29  }
.LBB2_9:
.Ltmp9:
0xb2: {  	(pc) =	sbr.rel .LBB2_10-.Ltmp9, $4  }
0xb3: {  	_ = 	snop  }
0xb4: {  	_ =	swait.ge [sflag:s16], $0x8000;
	s20 =	simm.s32 $0x0  }
0xb5: {  	s21 =	simm.s32 $0x0;
	s22 =	smov.u32 s12;
	[sflag:s16] =	ssyncset.done $0x0  }
0xb6: {  	s23 =	smov.u32 s11;
	s24 =	simm.s32 $0x0;
	[sflag:s16] =	ssyncadd.s32 $0xFFFF8000  }
.LBB2_12:
0xb7: {  	s31 =	smov.u32 s1;
	s30 =	smov.u32 s0  }
.LBB2_15:
0xb8: {  	[tilespmem:s31+$0x20] =	vst.add.f32.msk $0xffff, v4  }
0xb9: {  	v4 =	vld [tilespmem:s30+$0xFFFFFFF0];
	_ =	sdelay $0x4  }
0xba: {  	[tilespmem:s31+$0x30] =	vst.add.f32.msk $0xffff, v4  }
0xbb: {  	v4 =	vld [tilespmem:s30+$0x0];
	_ =	sdelay $0x4  }
0xbc: {  	[tilespmem:s31+$0x40] =	vst.add.f32.msk $0xffff, v4  }
0xbd: {  	v4 =	vld [tilespmem:s30+$0x10];
	_ =	sdelay $0x2  }
0xbe: {  	[tilespmem:s1+$0x50] =	vst.add.f32.msk @p0 $0xffff, v5  }
0xbf: {  	v5 =	vld @p0 [tilespmem:s0+$0x20]  }
0xc0: {  	[tilespmem:s31+$0x50] =	vst.add.f32.msk $0xffff, v4  }
0xc1: {  	v4 =	vld [tilespmem:s30+$0x20];
	_ =	sdelay $0x2  }
0xc2: {  	[tilespmem:s1+$0x60] =	vst.add.f32.msk @p0 $0xffff, v5  }
0xc3: {  	v5 =	vld @p0 [tilespmem:s0+$0x30]  }
0xc4: {  	[tilespmem:s31+$0x60] =	vst.add.f32.msk $0xffff, v4  }
0xc5: {  	v4 =	vld [tilespmem:s30+$0x30];
	_ =	sdelay $0x3  }
0xc6: {  	[tilespmem:s1+$0x70] =	vst.add.f32.msk @p0 $0xffff, v5  }
0xc7: {  	[tilespmem:s31+$0x70] =	vst.add.f32.msk $0xffff, v4  }
.LBB2_17:
0xc8: {  	s0 =	sor.u32 s28, s29  }
0xc9: {  	s0 =	sor.u32 $0xBC00, s0  }
0xca: {  	v4 =	vld [tilespmem:s0+$0x0];
	_ =	sdelay $0x3  }
0xcb: {  	s1 =	ssub.s32 $0x10F80, s25  }
0xcc: {  	[tilespmem:s1+$0x0] =	vst.add.f32.msk $0xffff, v4  }
0xcd: {  	v4 =	vld [tilespmem:s0+$0x10];
	_ =	sdelay $0x3  }
0xce: {  	s17 =	ssub.s32 $0x10F90, s25  }
0xcf: {  	[tilespmem:s17+$0x0] =	vst.add.f32.msk $0xffff, v4  }
0xd0: {  	v4 =	vld [tilespmem:s0+$0x20];
	_ =	sdelay $0x3  }
0xd1: {  	s18 =	ssub.s32 $0x10FA0, s25  }
0xd2: {  	[tilespmem:s18+$0x0] =	vst.add.f32.msk $0xffff, v4  }
0xd3: {  	v4 =	vld [tilespmem:s0+$0x30];
	_ =	sdelay $0x3  }
0xd4: {  	s28 =	ssub.s32 $0x10FB0, s25  }
0xd5: {  	[tilespmem:s28+$0x0] =	vst.add.f32.msk $0xffff, v4  }
0xd6: {  	v4 =	vld [tilespmem:s0+$0x40];
	_ =	sdelay $0x3  }
0xd7: {  	s29 =	ssub.s32 $0x10FC0, s25  }
0xd8: {  	[tilespmem:s29+$0x0] =	vst.add.f32.msk $0xffff, v4  }
0xd9: {  	v4 =	vld [tilespmem:s0+$0x50];
	_ =	sdelay $0x3  }
0xda: {  	s30 =	ssub.s32 $0x10FD0, s25  }
0xdb: {  	[tilespmem:s30+$0x0] =	vst.add.f32.msk $0xffff, v4  }
0xdc: {  	v4 =	vld [tilespmem:s0+$0x60];
	_ =	sdelay $0x3  }
0xdd: {  	s31 =	ssub.s32 $0x10FE0, s25  }
0xde: {  	v5 =	vmov s26;
	[tilespmem:s31+$0x0] =	vst.add.f32.msk $0xffff, v4  }
0xdf: {  	v5 =	vadd.s32 v3, v5;
	v4 =	vld [tilespmem:s0+$0x70];
	_ =	sdelay $0x4  }
0xe0: {  	[tilespmem:v5+s15+$0x0] =	vst.idx.add.f32.msk $0x7fff, v4  }
.LBB2_18:
0xe1: {  	s24 =	sadd.s32 $0x1, s24  }
0xe2: {  	p0 =	sne.s32 s24, $0x10  }
.Ltmp10:
0xe3: {  	_ = 	snop;
	(pc) =	sbr.rel @!p0 .LBB2_19-.Ltmp10, $3  }
0xe4: {  	_ =	sdelay $0x1  }
0xe5: {  	s23 =	sadd.s32 $0x2, s23  }
0xe6: {  	s22 =	sadd.s32 $0xFFFFFFFF, s22;
	s21 =	sadd.s32 $0x800, s21;
	s20 =	sadd.s32 $0x1, s20  }
.LBB2_10:
0xe7: {  	s25 =	sor.u32 s4, s24  }
0xe8: {  	s0 =	sshll.u32 s25, $0x1  }
0xe9: {  	s0 =	sadd.s32 $0xFFFFF802, s0  }
0xea: {  	s1 =	sshrl.u32 s0, $0x7  }
0xeb: {  	s28 =	sshll.u32 s24, $0xB;
	s29 =	sshll.u32 s24, $0x7;
	s1 =	smin.u32 s1, $0xF  }
0xec: {  	s13 =	sand.u32 $0x4000, s28;
	s5 =	sshll.u32 s1, $0x7;
	s1 =	sshll.u32 s1, $0xA  }
0xed: {  	s17 =	sand.u32 $0x380, s29;
	v4 =	vor.u32 s5, v0;
	s1 =	sor.u32 s1, s13  }
0xee: {  	s26 =	ssub.s32 $0x800, s25;
	s1 =	sor.u32 s17, s1;
	vm0 =	vge.s32 v4, s0  }
0xef: {  	v4 =	vadd.s32 s26, v4;
	v5 =	vld [tilespmem:s1+$0x8000];
	_ =	sdelay $0x2  }
0xf0: {  	s31 =	sor.u32 $0x10, s5  }
0xf1: {  	v6 =	vor.u32 s31, v0  }
0xf2: {  	vm9 =	vge.s32 v6, s0;
	[tilespmem:v4+s15+$0x0] =	vst.idx.add.f32.msk vm0, v5  }
0xf3: {  	v5 =	vadd.s32 s26, v6;
	v4 =	vld [tilespmem:s1+$0x8010];
	_ =	sdelay $0x2  }
0xf4: {  	s6 =	sor.u32 $0x20, s5  }
0xf5: {  	v58 =	vor.u32 s6, v0  }
0xf6: {  	vm10 =	vge.s32 v58, s0;
	[tilespmem:v5+s15+$0x0] =	vst.idx.add.f32.msk vm9, v4  }
0xf7: {  	v5 =	vadd.s32 s26, v58;
	v4 =	vld [tilespmem:s1+$0x8020];
	_ =	sdelay $0x2  }
0xf8: {  	s17 =	sor.u32 $0x30, s5  }
0xf9: {  	v59 =	vor.u32 s17, v0  }
0xfa: {  	vm11 =	vge.s32 v59, s0;
	[tilespmem:v5+s15+$0x0] =	vst.idx.add.f32.msk vm10, v4  }
0xfb: {  	v5 =	vadd.s32 s26, v59;
	v4 =	vld [tilespmem:s1+$0x8030];
	_ =	sdelay $0x2  }
0xfc: {  	s18 =	sor.u32 $0x40, s5  }
0xfd: {  	v60 =	vor.u32 s18, v0  }
0xfe: {  	vm12 =	vge.s32 v60, s0;
	[tilespmem:v5+s15+$0x0] =	vst.idx.add.f32.msk vm11, v4  }
0xff: {  	v5 =	vadd.s32 s26, v60;
	v4 =	vld [tilespmem:s1+$0x8040];
	_ =	sdelay $0x2  }
0x100: {  	s30 =	sor.u32 $0x50, s5  }
0x101: {  	v61 =	vor.u32 s30, v0  }
0x102: {  	vm13 =	vge.s32 v61, s0;
	[tilespmem:v5+s15+$0x0] =	vst.idx.add.f32.msk vm12, v4  }
0x103: {  	v5 =	vadd.s32 s26, v61;
	v4 =	vld [tilespmem:s1+$0x8050];
	_ =	sdelay $0x2  }
0x104: {  	s31 =	sor.u32 $0x60, s5  }
0x105: {  	v62 =	vor.u32 s31, v0  }
0x106: {  	vm14 =	vge.s32 v62, s0;
	[tilespmem:v5+s15+$0x0] =	vst.idx.add.f32.msk vm13, v4  }
0x107: {  	v5 =	vadd.s32 s26, v62;
	v4 =	vld [tilespmem:s1+$0x8060];
	_ =	sdelay $0x1  }
0x108: {  	s5 =	sor.u32 $0x70, s5  }
0x109: {  	v63 =	vmov s5;
	v7 =	vor.u32 s5, v0  }
0x10a: {  	vm1 =	vge.s32 v7, s0;
	vm2 =	vne.s32 v63, v2  }
0x10b: {  	vm15 =	vmand vm2, vm1;
	[tilespmem:v5+s15+$0x0] =	vst.idx.add.f32.msk vm14, v4  }
0x10c: {  	p0 =	sgt.u32 s25, $0x77E;
	v5 =	vadd.s32 s26, v7;
	v4 =	vld [tilespmem:s1+$0x8070]  }
.Ltmp11:
0x10d: {  	_ = 	snop;
	(pc) =	sbr.rel @p0 .LBB2_16-.Ltmp11, $2  }
0x10e: {  	_ =	sdelay $0x2  }
0x10f: {  	[tilespmem:v5+s15+$0x0] =	vst.idx.add.f32.msk vm15, v4  }
0x110: {  	s0 =	sshrl.u32 s23, $0x7  }
0x111: {  	s17 =	sshll.u32 s21, $0x2;
	s5 =	smin.u32 s0, $0xF  }
0x112: {  	s13 =	sand.u32 $0x7, s20;
	s0 =	sand.u32 $0xFFFF0000, s17;
	s1 =	sshll.u32 s5, $0xC  }
0x113: {  	s18 =	sshll.u32 s13, $0x9;
	s0 =	sor.u32 s1, s0  }
0x114: {  	s0 =	sor.u32 s18, s0  }
0x115: {  	s0 =	sshrl.u32 s0, $0x2  }
0x116: {  	s0 =	sadd.s32 $0x8440, s0  }
0x117: {  	v4 =	vld [tilespmem:s0+$0xFFFFFFC0];
	_ =	sdelay $0x1  }
0x118: {  	s31 =	sshll.u32 s5, $0x9  }
0x119: {  	s13 =	sshrl.u32 s31, $0x2  }
0x11a: {  	s1 =	sadd.s32 s13, s22  }
0x11b: {  	[tilespmem:s1+$0x0] =	vst.add.f32.msk $0xffff, v4  }
0x11c: {  	v4 =	vld [tilespmem:s0+$0xFFFFFFD0];
	_ =	sdelay $0x2  }
0x11d: {  	s5 =	sadd.s32 $0xFFFFFFFF, s5  }
0x11e: {  	s5 =	sadd.s32 $0x1, s5  }
0x11f: {  	p1 =	slt.u32 s5, $0xD;
	[tilespmem:s1+$0x10] =	vst.add.f32.msk $0xffff, v4  }
.Ltmp12:
0x120: {  	v4 =	vld [tilespmem:s0+$0xFFFFFFE0];
	(pc) =	sbr.rel @!p1 .LBB2_12-.Ltmp12, $2  }
0x121: {  	_ =	sdelay $0x2  }
0x122: {  	p0 =	por $0x0, $0x0;
	s30 =	sadd.s32 $0x400, s0  }
0x123: {  	v5 =	vld [tilespmem:s30+$0xFFFFFFC0];
	_ =	sdelay $0x1  }
0x124: {  	[tilespmem:s1+$0x20] =	vst.add.f32.msk $0xffff, v4  }
0x125: {  	s17 =	sadd.s32 $0x80, s22;
	v4 =	vld [tilespmem:s0+$0xFFFFFFF0]  }
0x126: {  	s31 =	sadd.s32 s13, s17  }
0x127: {  	[tilespmem:s31+$0x0] =	vst.add.f32.msk $0xffff, v5  }
0x128: {  	v5 =	vld [tilespmem:s30+$0xFFFFFFD0];
	_ =	sdelay $0x1  }
0x129: {  	[tilespmem:s1+$0x30] =	vst.add.f32.msk $0xffff, v4  }
0x12a: {  	v6 =	vld [tilespmem:s0+$0x0]  }
0x12b: {  	s18 =	sadd.s32 $0x1, s5  }
0x12c: {  	p1 =	slt.u32 s18, $0xD;
	[tilespmem:s31+$0x10] =	vst.add.f32.msk $0xffff, v5  }
.Ltmp13:
0x12d: {  	v4 =	vld [tilespmem:s30+$0xFFFFFFE0];
	(pc) =	sbr.rel @!p1 .LBB2_15-.Ltmp13, $4  }
0x12e: {  	_ = 	snop  }
0x12f: {  	[tilespmem:s1+$0x40] =	vst.add.f32.msk $0xffff, v6  }
0x130: {  	v5 =	vld [tilespmem:s0+$0x10]  }
0x131: {  	s5 =	sadd.s32 $0x400, s30;
	p0 =	por $0x1, $0x1  }
.LBB2_14:
0x132: {  	v6 =	vld [tilespmem:s5+$0xFFFFFFC0];
	s18 =	sadd.s32 $0x1, s18  }
0x133: {  	p1 =	slt.u32 s18, $0xD;
	[tilespmem:s31+$0x20] =	vst.add.f32.msk $0xffff, v4  }
0x134: {  	v4 =	vld [tilespmem:s30+$0xFFFFFFF0]  }
0x135: {  	s17 =	sadd.s32 $0x80, s17;
	[tilespmem:s1+$0x50] =	vst.add.f32.msk $0xffff, v5  }
0x136: {  	s6 =	sadd.s32 s13, s17;
	v5 =	vld [tilespmem:s0+$0x20]  }
0x137: {  	[tilespmem:s6+$0x0] =	vst.add.f32.msk $0xffff, v6  }
0x138: {  	v6 =	vld [tilespmem:s5+$0xFFFFFFD0]  }
0x139: {  	[tilespmem:s31+$0x30] =	vst.add.f32.msk $0xffff, v4  }
0x13a: {  	v7 =	vld [tilespmem:s30+$0x0]  }
0x13b: {  	[tilespmem:s1+$0x60] =	vst.add.f32.msk $0xffff, v5  }
0x13c: {  	v8 =	vld [tilespmem:s0+$0x30];
	s0 =	smov.u32 s30;
	s30 =	smov.u32 s5  }
.Ltmp14:
0x13d: {  	[tilespmem:s6+$0x10] =	vst.add.f32.msk $0xffff, v6;
	(pc) =	sbr.rel @p1 .LBB2_14-.Ltmp14, $4  }
0x13e: {  	v4 =	vld [tilespmem:s5+$0xFFFFFFE0]  }
0x13f: {  	[tilespmem:s31+$0x40] =	vst.add.f32.msk $0xffff, v7  }
0x140: {  	v5 =	vld [tilespmem:s0+$0x10]  }
0x141: {  	s5 =	sadd.s32 $0x400, s5;
	[tilespmem:s1+$0x70] =	vst.add.f32.msk $0xffff, v8;
	s1 =	smov.u32 s31;
	s31 =	smov.u32 s6  }
.Ltmp15:
0x142: {  	_ = 	snop;
	(pc) =	sbr.rel .LBB2_15-.Ltmp15, $1  }
0x143: {  	_ =	sdelay $0x3  }
.LBB2_16:
0x144: {  	p0 =	sgt.u32 s25, $0x7BE  }
.Ltmp16:
0x145: {  	_ = 	snop;
	(pc) =	sbr.rel @p0 .LBB2_18-.Ltmp16, $4  }
.Ltmp17:
0x146: {  	_ = 	snop;
	(pc) =	sbr.rel @!p0 .LBB2_17-.Ltmp17, $4  }
0x147: {  	_ = 	snop  }
0x148: {  	_ = 	snop  }
0x149: {  	_ = 	snop  }
0x14a: {  	_ = 	snop  }
.LBB2_20:
0x14b: {  	_ =	sfence.sel $0x180000  }
0x14c: {  	[bflag:$0x0] =	sbarrier.arrive $0xFFFF  }
0x14d: {  	_ =	strace $0x90000047  }
0x14e: {  	s0 =	stileid.u32;
	[bflag:$0x2] =	sbarrier.arrive $0xFFFF  }
0x14f: {  	p0 =	sne.s32 s0, $0x0;
	s0 =	rddreg [dreg:$0x2]  }
0x150: {  	s0 =	sadd.s32 @!p0 $0x100000, s0  }
0x151: {  	[sflag:s0] =	ssyncadd.tile.s32 @!p0 $0x1;
	_ =	shalt  }
.Lfunc_end2:
_tile_overlayer_lowered:
.L_overlay_start_2:
0x152: {  	(tag) =	ssettag $0x2  }
0x153: {  	s0 =	rddreg [dreg:$0x0];
	s2 =	stileid.u32  }
0x154: {  	s1 =	rddreg [dreg:$0x1];
	p0 =	sne.s32 s2, $0x0  }
0x155: {  	s3 =	rddreg [dreg:$0x2];
	[bflag:$0x3] =	sbarrier.arrive $0xFFFF;
	s2 =	simm.s32 @!p0 $0x1C03  }
0x156: {  	[timem:s3], [sflag:s2] =	dma.local @!p0 [hbm:s0], s1  }
0x157: {  	s0 =	simm.s32 @!p0 $0x3  }
0x158: {  	_ =	swait.ge @!p0 [sflag:s0], s1  }
0x159: {  	s1 =	ssub.s32 @!p0 $0x0, s1;
	[sflag:s0] =	ssyncset.done @!p0 $0x0  }
0x15a: {  	[sflag:s0] =	ssyncadd.s32 @!p0 s1  }
0x15b: {  	[bflag:$0x3] =	sbarrier.arrive $0xFFFF  }
0x15c: {  	_ =	shalt  }

</sc_bundles>
